<compile_context>
chip_gen: v7x
topology: tpu7x:2x2x1
jax: 0.10.2.dev20260603
libtpu: 0.0.44.dev20260713+nightly
codegen_flags: <defaults>
</compile_context>

<pallas_src>
import numpy as np
import jax
import jax.numpy as jnp
from jax import lax
from jax.experimental import pallas as pl
from jax.experimental.pallas import tpu as pltpu
from jax.experimental.pallas import tpu_sc as plsc

_L = 16
_ROWS = 32
_W = 224
_VPR = _W // _L


def _reduce_body(x_ref, w_ref, out_ref):
    x = x_ref[0]
    prod = x * w_ref[...]
    s = jnp.sum(prod, axis=(0, 2))
    out_ref[0] = s


def _sc_agg_body(
    h_hbm, d_hbm, b_hbm, out_hbm, hloc, htop, hbot, gloc, vloc, oloc, dloc, bloc, sem
):
    wid = lax.axis_index("s") * 2 + lax.axis_index("c")
    active = wid < 28
    img = jnp.minimum(wid // 7, 3)
    part = wid % 7
    r0 = pl.multiple_of(part * _ROWS, 8)

    zero = jnp.zeros((_L,), jnp.float32)

    def _cprow(dst_row, src_ref, src_row):
        def cb(j, _):
            hloc[dst_row, pl.ds(j * _L, _L)] = src_ref[src_row, pl.ds(j * _L, _L)]
            return 0
        lax.fori_loop(0, _VPR, cb, 0)

    def _zrow(row):
        def zb(j, _):
            hloc[row, pl.ds(j * _L, _L)] = zero
            return 0
        lax.fori_loop(0, _VPR, zb, 0)

    @pl.when(active)
    def _():
        top_off = pl.multiple_of(jnp.maximum(r0 - 8, 0), 8)
        bot_off = pl.multiple_of(jnp.minimum(r0 + _ROWS, 216), 8)
        c1 = pltpu.async_copy(d_hbm, dloc, sem)
        c2 = pltpu.async_copy(b_hbm, bloc, sem)
        c3 = pltpu.async_copy(
            h_hbm.at[img, pl.ds(pl.multiple_of(r0, 8), _ROWS)],
            hloc.at[pl.ds(8, _ROWS)],
            sem,
        )
        c4 = pltpu.async_copy(h_hbm.at[img, pl.ds(top_off, 8)], htop, sem)
        c5 = pltpu.async_copy(h_hbm.at[img, pl.ds(bot_off, 8)], hbot, sem)
        c1.wait()
        c2.wait()
        c3.wait()
        c4.wait()
        c5.wait()

        @pl.when(part > 0)
        def _():
            _cprow(7, htop, 7)

        @pl.when(part == 0)
        def _():
            _zrow(7)

        @pl.when(part < 6)
        def _():
            _cprow(40, hbot, 0)

        @pl.when(part == 6)
        def _():
            _zrow(40)

        vloc[pl.ds(0, _L)] = zero
        vloc[pl.ds(_L + _ROWS * _W, _L)] = zero

        iot = lax.iota(jnp.int32, _L)
        first_lane = iot == 0
        last_lane = iot == _L - 1

        dm = [dloc[pl.ds(_W + j * _L, _L)] for j in range(_VPR)]
        df = [dloc[pl.ds(j * _L, _L)] - dm[j] for j in range(_VPR)]

        def gbody(k, _):
            ri = r0 - 1 + k
            f = jnp.where(jnp.logical_or(ri == 0, ri == 223), 1.0, 0.0)
            for j in range(_VPR):
                dv = dm[j] + f * df[j]
                o = k * _W + j * _L
                gloc[pl.ds(o, _L)] = hloc[7 + k, pl.ds(j * _L, _L)] * dv
            return 0

        lax.fori_loop(0, 34, gbody, 0)

        def vbody(r, _):
            for j in range(_VPR):
                o = r * _W + j * _L
                v = (
                    gloc[pl.ds(o, _L)]
                    + gloc[pl.ds(o + _W, _L)]
                    + gloc[pl.ds(o + 2 * _W, _L)]
                )
                vloc[pl.ds(_L + o, _L)] = v
            return 0

        lax.fori_loop(0, _ROWS, vbody, 0)

        bvec = bloc[...]

        def obody(r, _):
            ri = r0 + r
            f = jnp.where(jnp.logical_or(ri == 0, ri == 223), 1.0, 0.0)
            for j in range(_VPR):
                o = r * _W + j * _L
                base = _L + o
                c = vloc[pl.ds(base, _L)]
                lf = vloc[pl.ds(base - 1, _L)]
                rt = vloc[pl.ds(base + 1, _L)]
                if j == 0:
                    lf = jnp.where(first_lane, 0.0, lf)
                if j == _VPR - 1:
                    rt = jnp.where(last_lane, 0.0, rt)
                box = lf + c + rt
                gc = gloc[pl.ds(_W + o, _L)]
                dv = dm[j] + f * df[j]
                oloc[r, pl.ds(j * _L, _L)] = dv * (box + gc) + bvec
            return 0

        lax.fori_loop(0, _ROWS, obody, 0)

        pltpu.sync_copy(oloc, out_hbm.at[img, pl.ds(pl.multiple_of(r0, 8), _ROWS)])


def kernel(batch, labels, Wlin, bias, edge_index):
    B, C, H, W, D = batch.shape

    xt = jnp.swapaxes(batch, 3, 4)
    wfull = jnp.tile(Wlin.reshape(C, 1, D, 1), (1, 1, 1, W))

    vj = np.full((W,), 3.0)
    vj[0] = vj[-1] = 2.0
    drows = np.concatenate(
        [1.0 / np.sqrt(2.0 * vj + 1.0), 1.0 / np.sqrt(3.0 * vj + 1.0)]
    ).astype(np.float32)
    drows = jnp.asarray(drows)

    TH = 56
    hbuf = pl.pallas_call(
        _reduce_body,
        grid=(B, H // TH),
        in_specs=[
            pl.BlockSpec((1, C, TH, D, W), lambda b, t: (b, 0, t, 0, 0)),
            pl.BlockSpec((C, 1, D, W), lambda b, t: (0, 0, 0, 0)),
        ],
        out_specs=pl.BlockSpec((1, TH, W), lambda b, t: (b, t, 0)),
        out_shape=jax.ShapeDtypeStruct((B, H, W), jnp.float32),
    )(xt, wfull)

    sc_call = pl.kernel(
        _sc_agg_body,
        mesh=plsc.VectorSubcoreMesh(core_axis_name="c", subcore_axis_name="s"),
        out_type=jax.ShapeDtypeStruct((B, H, W), jnp.float32),
        scratch_types=[
            pltpu.VMEM((41, _W), jnp.float32),
            pltpu.VMEM((8, _W), jnp.float32),
            pltpu.VMEM((8, _W), jnp.float32),
            pltpu.VMEM((34 * _W,), jnp.float32),
            pltpu.VMEM((_L + _ROWS * _W + _L,), jnp.float32),
            pltpu.VMEM((_ROWS, _W), jnp.float32),
            pltpu.VMEM((2 * _W,), jnp.float32),
            pltpu.VMEM((_L,), jnp.float32),
            pltpu.SemaphoreType.DMA,
        ],
    )
    return sc_call(
        hbuf,
        drows,
        jnp.broadcast_to(bias.astype(jnp.float32), (_L,)),
    )

# --- scband reference (transcript-rebuilt; emitter-appended) ---
"""Pipeline reference for scband-graph-model-64372969832903 (READ-ONLY COPY).

The authoritative reference and input builder live on the scoring server;
editing this copy changes nothing except your own understanding.
"""

import jax, jax.numpy as jnp
import numpy as np

B, C, H, W, D = 4, 4, 224, 224, 32

def _grid_index(height, width):
    # Faithful numpy port of torch_geometric.utils.grid's grid_index
    w = width
    kernel = np.array([-w - 1, -1, w - 1, -w, 0, w, -w + 1, 1, w + 1], dtype=np.int64)
    row = np.arange(height * width, dtype=np.int64).reshape(-1, 1).repeat(kernel.shape[0], axis=1)
    col = row + kernel.reshape(1, -1)
    row = row.reshape(height, -1)
    col = col.reshape(height, -1)
    idx = np.arange(3, row.shape[1] - 3)
    row = row[:, idx].reshape(-1)
    col = col[:, idx].reshape(-1)
    mask = (col >= 0) & (col < height * width)
    row, col = row[mask], col[mask]
    return np.stack([row, col], axis=0)

def setup_inputs(seed: int = 0):
    key = jax.random.key(seed)
    k1, k2, k3 = jax.random.split(key, 3)
    batch = jax.random.normal(k1, (B, C, H, W, D), dtype=jnp.float32)
    labels = jax.random.normal(k2, (B, H, W), dtype=jnp.float32)
    # GCNConv(-1, 1): lazy in_channels inferred as C*D = 128, out_channels = 1.
    # GCNConv's internal Linear has no bias; GCNConv adds a separate bias after aggregation.
    Wlin = jax.random.normal(k3, (C * D, 1), dtype=jnp.float32) * (1.0 / np.sqrt(C * D))
    bias = jnp.zeros((1,), dtype=jnp.float32)
    edge_index = jnp.asarray(_grid_index(H, W))  # static grid graph, same for every sample
    return {"batch": batch, "labels": labels, "Wlin": Wlin, "bias": bias, "edge_index": edge_index}

def _gcn_conv(x, edge_index, Wlin, bias, num_nodes):
    # gcn_norm with add_self_loops=True: appends self loops (grid kernel already
    # contains offset 0, so self loops are duplicated, exactly as in torch_geometric).
    loop = jnp.arange(num_nodes, dtype=edge_index.dtype)
    src = jnp.concatenate([edge_index[0], loop])
    dst = jnp.concatenate([edge_index[1], loop])
    ew = jnp.ones((src.shape[0],), dtype=x.dtype)
    deg = jnp.zeros((num_nodes,), dtype=x.dtype).at[dst].add(ew)
    dinv = jnp.where(deg > 0, 1.0 / jnp.sqrt(deg), 0.0)
    norm = dinv[src] * ew * dinv[dst]
    h = x @ Wlin                          # lin first, as in GCNConv.forward
    msg = norm[:, None] * jnp.take(h, src, axis=0)   # gather messages
    out = jnp.zeros((num_nodes, h.shape[1]), dtype=x.dtype).at[dst].add(msg)  # scatter-add
    return out + bias

def reference(batch, labels, Wlin, bias, edge_index):
    output_shape = labels.shape[1:]
    num_nodes = H * W
    outs = []
    for b in range(batch.shape[0]):
        x = batch[b]                       # [C, H, W, D]
        x = jnp.moveaxis(x, 0, 2)          # [H, W, C, D]
        x = x.reshape((x.shape[0] * x.shape[1], x.shape[2] * x.shape[3]))  # [H*W, C*D]
        out = _gcn_conv(x, edge_index, Wlin, bias, num_nodes)              # [H*W, 1]
        outs.append(out.reshape(output_shape))
    return jnp.stack(outs)

if __name__ == "__main__":
    import jax
    _d = setup_inputs()
    print(jax.jit(kernel)(*tuple(_d.values())))

</pallas_src>

<mosaic_0001>
#map = affine_map<(d0, d1) -> (0, 0, 0)>
#map1 = affine_map<(d0, d1) -> (0)>
module attributes {stable_mosaic.version = 14 : i64} {
  func.func @_sc_agg_body(%arg0: i32, %arg1: i32, %arg2: memref<4x224x224xf32, #tpu.memory_space<hbm>>, %arg3: memref<448xf32, #tpu.memory_space<hbm>>, %arg4: memref<16xf32, #tpu.memory_space<hbm>>, %arg5: memref<4x224x224xf32, #tpu.memory_space<hbm>>, %arg6: memref<41x224xf32, #tpu.memory_space<vmem>>, %arg7: memref<8x224xf32, #tpu.memory_space<vmem>>, %arg8: memref<8x224xf32, #tpu.memory_space<vmem>>, %arg9: memref<7616xf32, #tpu.memory_space<vmem>>, %arg10: memref<7200xf32, #tpu.memory_space<vmem>>, %arg11: memref<32x224xf32, #tpu.memory_space<vmem>>, %arg12: memref<448xf32, #tpu.memory_space<vmem>>, %arg13: memref<16xf32, #tpu.memory_space<vmem>>, %arg14: memref<!tpu.dma_semaphore, #tpu.memory_space<semaphore_mem>>) attributes {dimension_semantics = [#tpu.dimension_semantics<core_parallel>, #tpu.dimension_semantics<subcore_parallel>], iteration_bounds = array<i64: 2, 16>, scalar_prefetch = 0 : i64, scratch_operands = 9 : i64, tpu.core_type = #tpu.core_type<sc_vector_subcore>, window_params = [{transform_indices = #map}, {transform_indices = #map1}, {transform_indices = #map1}, {transform_indices = #map}]} {
    %mul3A = arith.constant 2 : i32
    %mul3A_0 = arith.muli %arg1, %mul3A : i32
    %add3A = arith.addi %mul3A_0, %arg0 : i32
    %lt3A = arith.constant 28 : i32
    %lt3A_1 = arith.cmpi slt, %add3A, %lt3A : i32
    %jit3A = arith.constant 7 : i32
    %div3A = arith.divsi %add3A, %jit3A : i32
    %sign3A = arith.constant 0 : i32
    %sign3A_2 = arith.cmpi sgt, %add3A, %sign3A : i32
    %sign3A_3 = arith.extui %sign3A_2 : i1 to i32
    %sign3A_4 = arith.constant 0 : i32
    %sign3A_5 = arith.cmpi slt, %add3A, %sign3A_4 : i32
    %sign3A_6 = arith.extui %sign3A_5 : i1 to i32
    %sign3A_7 = arith.subi %sign3A_3, %sign3A_6 : i32
    %sign3A_8 = arith.constant 0 : i32
    %sign3A_9 = arith.cmpi sgt, %jit3A, %sign3A_8 : i32
    %sign3A_10 = arith.extui %sign3A_9 : i1 to i32
    %sign3A_11 = arith.constant 0 : i32
    %sign3A_12 = arith.cmpi slt, %jit3A, %sign3A_11 : i32
    %sign3A_13 = arith.extui %sign3A_12 : i1 to i32
    %sign3A_14 = arith.subi %sign3A_10, %sign3A_13 : i32
    %ne3A = arith.cmpi ne, %sign3A_7, %sign3A_14 : i32
    %rem3A = arith.remsi %add3A, %jit3A : i32
    %ne3A_15 = arith.constant 0 : i32
    %ne3A_16 = arith.cmpi ne, %rem3A, %ne3A_15 : i32
    %and3A = arith.andi %ne3A, %ne3A_16 : i1
    %sub3A = arith.constant 1 : i32
    %sub3A_17 = arith.subi %div3A, %sub3A : i32
    %select_n3A = arith.select %and3A, %sub3A_17, %div3A : i32
    %min3A = arith.constant 3 : i32
    %min3A_18 = arith.minsi %select_n3A, %min3A : i32
    %jit3A_19 = arith.constant 7 : i32
    %eq3A = arith.constant 0 : i32
    %eq3A_20 = arith.cmpi eq, %jit3A_19, %eq3A : i32
    %jit3A_21 = arith.constant 1 : i32
    %select_n3A_22 = arith.select %eq3A_20, %jit3A_21, %jit3A_19 : i32
    %rem3A_23 = arith.remsi %add3A, %select_n3A_22 : i32
    %ne3A_24 = arith.constant 0 : i32
    %ne3A_25 = arith.cmpi ne, %rem3A_23, %ne3A_24 : i32
    %lt3A_26 = arith.constant 0 : i32
    %lt3A_27 = arith.cmpi slt, %rem3A_23, %lt3A_26 : i32
    %lt3A_28 = arith.constant 0 : i32
    %lt3A_29 = arith.cmpi slt, %select_n3A_22, %lt3A_28 : i32
    %ne3A_30 = arith.xori %lt3A_27, %lt3A_29 : i1
    %and3A_31 = arith.andi %ne3A_30, %ne3A_25 : i1
    %add3A_32 = arith.addi %rem3A_23, %select_n3A_22 : i32
    %select_n3A_33 = arith.select %and3A_31, %add3A_32, %rem3A_23 : i32
    %mul3A_34 = arith.constant 32 : i32
    %mul3A_35 = arith.muli %select_n3A_33, %mul3A_34 : i32
    %multiple_of3A = tpu.assume_multiple %mul3A_35, 8 : i32
    %broadcast_in_dim3A = arith.constant 0.000000e+00 : f32
    %broadcast_in_dim3A_36 = vector.broadcast %broadcast_in_dim3A : f32 to vector<16xf32>
    %convert_element_type3A = arith.extui %lt3A_1 : i1 to i32
    %cond3A = arith.constant 0 : i32
    %cond3A_37 = arith.cmpi ne, %convert_element_type3A, %cond3A : i32
    scf.if %cond3A_37 {
      %sub3A_38 = arith.constant 8 : i32
      %sub3A_39 = arith.subi %multiple_of3A, %sub3A_38 : i32
      %max3A = arith.constant 0 : i32
      %max3A_40 = arith.maxsi %sub3A_39, %max3A : i32
      %multiple_of3A_41 = tpu.assume_multiple %max3A_40, 8 : i32
      %add3A_42 = arith.constant 32 : i32
      %add3A_43 = arith.addi %multiple_of3A, %add3A_42 : i32
      %min3A_44 = arith.constant 216 : i32
      %min3A_45 = arith.minsi %add3A_43, %min3A_44 : i32
      %multiple_of3A_46 = tpu.assume_multiple %min3A_45, 8 : i32
      tpu.enqueue_dma source(%arg3 : memref<448xf32, #tpu.memory_space<hbm>>) target(%arg12 : memref<448xf32, #tpu.memory_space<vmem>>) target_semaphore(%arg14 : memref<!tpu.dma_semaphore, #tpu.memory_space<semaphore_mem>>)
      tpu.enqueue_dma source(%arg4 : memref<16xf32, #tpu.memory_space<hbm>>) target(%arg13 : memref<16xf32, #tpu.memory_space<vmem>>) target_semaphore(%arg14 : memref<!tpu.dma_semaphore, #tpu.memory_space<semaphore_mem>>)
      %multiple_of3A_47 = tpu.assume_multiple %multiple_of3A, 8 : i32
      %dma_start3A = arith.constant 8 : i32
      %dma_start3A_48 = arith.constant 0 : i32
      %dma_start3A_49 = tpu.memref_slice %arg6[%dma_start3A, %dma_start3A_48] : memref<41x224xf32, #tpu.memory_space<vmem>> -> memref<32x224xf32, #tpu.memory_space<vmem>>
      %dma_start3A_50 = arith.constant 0 : i32
      %dma_start3A_51 = tpu.memref_slice %arg2[%min3A_18, %multiple_of3A_47, %dma_start3A_50] : memref<4x224x224xf32, #tpu.memory_space<hbm>> -> memref<1x32x224xf32, #tpu.memory_space<hbm>>
      %dma_start3A_52 = tpu.memref_squeeze %dma_start3A_51 : memref<1x32x224xf32, #tpu.memory_space<hbm>> -> memref<32x224xf32, #tpu.memory_space<hbm>>
      %dma_start3A_53 = arith.constant 8 : i32
      %dma_start3A_54 = arith.constant 0 : i32
      %dma_start3A_55 = tpu.memref_slice %arg6[%dma_start3A_53, %dma_start3A_54] : memref<41x224xf32, #tpu.memory_space<vmem>> -> memref<32x224xf32, #tpu.memory_space<vmem>>
      %dma_start3A_56 = arith.constant 0 : i32
      %dma_start3A_57 = tpu.memref_slice %arg2[%min3A_18, %multiple_of3A_47, %dma_start3A_56] : memref<4x224x224xf32, #tpu.memory_space<hbm>> -> memref<1x32x224xf32, #tpu.memory_space<hbm>>
      %dma_start3A_58 = tpu.memref_squeeze %dma_start3A_57 : memref<1x32x224xf32, #tpu.memory_space<hbm>> -> memref<32x224xf32, #tpu.memory_space<hbm>>
      tpu.enqueue_dma source(%dma_start3A_58 : memref<32x224xf32, #tpu.memory_space<hbm>>) target(%dma_start3A_55 : memref<32x224xf32, #tpu.memory_space<vmem>>) target_semaphore(%arg14 : memref<!tpu.dma_semaphore, #tpu.memory_space<semaphore_mem>>)
      %dma_start3A_59 = arith.constant 0 : i32
      %dma_start3A_60 = tpu.memref_slice %arg2[%min3A_18, %multiple_of3A_41, %dma_start3A_59] : memref<4x224x224xf32, #tpu.memory_space<hbm>> -> memref<1x8x224xf32, #tpu.memory_space<hbm>>
      %dma_start3A_61 = tpu.memref_squeeze %dma_start3A_60 : memref<1x8x224xf32, #tpu.memory_space<hbm>> -> memref<8x224xf32, #tpu.memory_space<hbm>>
      %dma_start3A_62 = arith.constant 0 : i32
      %dma_start3A_63 = tpu.memref_slice %arg2[%min3A_18, %multiple_of3A_41, %dma_start3A_62] : memref<4x224x224xf32, #tpu.memory_space<hbm>> -> memref<1x8x224xf32, #tpu.memory_space<hbm>>
      %dma_start3A_64 = tpu.memref_squeeze %dma_start3A_63 : memref<1x8x224xf32, #tpu.memory_space<hbm>> -> memref<8x224xf32, #tpu.memory_space<hbm>>
      tpu.enqueue_dma source(%dma_start3A_64 : memref<8x224xf32, #tpu.memory_space<hbm>>) target(%arg7 : memref<8x224xf32, #tpu.memory_space<vmem>>) target_semaphore(%arg14 : memref<!tpu.dma_semaphore, #tpu.memory_space<semaphore_mem>>)
      %dma_start3A_65 = arith.constant 0 : i32
      %dma_start3A_66 = tpu.memref_slice %arg2[%min3A_18, %multiple_of3A_46, %dma_start3A_65] : memref<4x224x224xf32, #tpu.memory_space<hbm>> -> memref<1x8x224xf32, #tpu.memory_space<hbm>>
      %dma_start3A_67 = tpu.memref_squeeze %dma_start3A_66 : memref<1x8x224xf32, #tpu.memory_space<hbm>> -> memref<8x224xf32, #tpu.memory_space<hbm>>
      %dma_start3A_68 = arith.constant 0 : i32
      %dma_start3A_69 = tpu.memref_slice %arg2[%min3A_18, %multiple_of3A_46, %dma_start3A_68] : memref<4x224x224xf32, #tpu.memory_space<hbm>> -> memref<1x8x224xf32, #tpu.memory_space<hbm>>
      %dma_start3A_70 = tpu.memref_squeeze %dma_start3A_69 : memref<1x8x224xf32, #tpu.memory_space<hbm>> -> memref<8x224xf32, #tpu.memory_space<hbm>>
      tpu.enqueue_dma source(%dma_start3A_70 : memref<8x224xf32, #tpu.memory_space<hbm>>) target(%arg8 : memref<8x224xf32, #tpu.memory_space<vmem>>) target_semaphore(%arg14 : memref<!tpu.dma_semaphore, #tpu.memory_space<semaphore_mem>>)
      tpu.wait_dma2 semaphore(%arg14 : memref<!tpu.dma_semaphore, #tpu.memory_space<semaphore_mem>>) src(%arg3 : memref<448xf32, #tpu.memory_space<hbm>>) dst(%arg12 : memref<448xf32, #tpu.memory_space<vmem>>)
      tpu.wait_dma2 semaphore(%arg14 : memref<!tpu.dma_semaphore, #tpu.memory_space<semaphore_mem>>) src(%arg4 : memref<16xf32, #tpu.memory_space<hbm>>) dst(%arg13 : memref<16xf32, #tpu.memory_space<vmem>>)
      %dma_wait3A = arith.constant 8 : i32
      %dma_wait3A_71 = arith.constant 0 : i32
      %dma_wait3A_72 = tpu.memref_slice %arg6[%dma_wait3A, %dma_wait3A_71] : memref<41x224xf32, #tpu.memory_space<vmem>> -> memref<32x224xf32, #tpu.memory_space<vmem>>
      %dma_wait3A_73 = arith.constant 0 : i32
      %dma_wait3A_74 = tpu.memref_slice %arg2[%min3A_18, %multiple_of3A_47, %dma_wait3A_73] : memref<4x224x224xf32, #tpu.memory_space<hbm>> -> memref<1x32x224xf32, #tpu.memory_space<hbm>>
      %dma_wait3A_75 = tpu.memref_squeeze %dma_wait3A_74 : memref<1x32x224xf32, #tpu.memory_space<hbm>> -> memref<32x224xf32, #tpu.memory_space<hbm>>
      %dma_wait3A_76 = arith.constant 8 : i32
      %dma_wait3A_77 = arith.constant 0 : i32
      %dma_wait3A_78 = tpu.memref_slice %arg6[%dma_wait3A_76, %dma_wait3A_77] : memref<41x224xf32, #tpu.memory_space<vmem>> -> memref<32x224xf32, #tpu.memory_space<vmem>>
      %dma_wait3A_79 = arith.constant 0 : i32
      %dma_wait3A_80 = tpu.memref_slice %arg2[%min3A_18, %multiple_of3A_47, %dma_wait3A_79] : memref<4x224x224xf32, #tpu.memory_space<hbm>> -> memref<1x32x224xf32, #tpu.memory_space<hbm>>
      %dma_wait3A_81 = tpu.memref_squeeze %dma_wait3A_80 : memref<1x32x224xf32, #tpu.memory_space<hbm>> -> memref<32x224xf32, #tpu.memory_space<hbm>>
      tpu.wait_dma2 semaphore(%arg14 : memref<!tpu.dma_semaphore, #tpu.memory_space<semaphore_mem>>) src(%dma_wait3A_81 : memref<32x224xf32, #tpu.memory_space<hbm>>) dst(%dma_wait3A_78 : memref<32x224xf32, #tpu.memory_space<vmem>>)
      %dma_wait3A_82 = arith.constant 0 : i32
      %dma_wait3A_83 = tpu.memref_slice %arg2[%min3A_18, %multiple_of3A_41, %dma_wait3A_82] : memref<4x224x224xf32, #tpu.memory_space<hbm>> -> memref<1x8x224xf32, #tpu.memory_space<hbm>>
      %dma_wait3A_84 = tpu.memref_squeeze %dma_wait3A_83 : memref<1x8x224xf32, #tpu.memory_space<hbm>> -> memref<8x224xf32, #tpu.memory_space<hbm>>
      %dma_wait3A_85 = arith.constant 0 : i32
      %dma_wait3A_86 = tpu.memref_slice %arg2[%min3A_18, %multiple_of3A_41, %dma_wait3A_85] : memref<4x224x224xf32, #tpu.memory_space<hbm>> -> memref<1x8x224xf32, #tpu.memory_space<hbm>>
      %dma_wait3A_87 = tpu.memref_squeeze %dma_wait3A_86 : memref<1x8x224xf32, #tpu.memory_space<hbm>> -> memref<8x224xf32, #tpu.memory_space<hbm>>
      tpu.wait_dma2 semaphore(%arg14 : memref<!tpu.dma_semaphore, #tpu.memory_space<semaphore_mem>>) src(%dma_wait3A_87 : memref<8x224xf32, #tpu.memory_space<hbm>>) dst(%arg7 : memref<8x224xf32, #tpu.memory_space<vmem>>)
      %dma_wait3A_88 = arith.constant 0 : i32
      %dma_wait3A_89 = tpu.memref_slice %arg2[%min3A_18, %multiple_of3A_46, %dma_wait3A_88] : memref<4x224x224xf32, #tpu.memory_space<hbm>> -> memref<1x8x224xf32, #tpu.memory_space<hbm>>
      %dma_wait3A_90 = tpu.memref_squeeze %dma_wait3A_89 : memref<1x8x224xf32, #tpu.memory_space<hbm>> -> memref<8x224xf32, #tpu.memory_space<hbm>>
      %dma_wait3A_91 = arith.constant 0 : i32
      %dma_wait3A_92 = tpu.memref_slice %arg2[%min3A_18, %multiple_of3A_46, %dma_wait3A_91] : memref<4x224x224xf32, #tpu.memory_space<hbm>> -> memref<1x8x224xf32, #tpu.memory_space<hbm>>
      %dma_wait3A_93 = tpu.memref_squeeze %dma_wait3A_92 : memref<1x8x224xf32, #tpu.memory_space<hbm>> -> memref<8x224xf32, #tpu.memory_space<hbm>>
      tpu.wait_dma2 semaphore(%arg14 : memref<!tpu.dma_semaphore, #tpu.memory_space<semaphore_mem>>) src(%dma_wait3A_93 : memref<8x224xf32, #tpu.memory_space<hbm>>) dst(%arg8 : memref<8x224xf32, #tpu.memory_space<vmem>>)
      %gt3A = arith.constant 0 : i32
      %gt3A_94 = arith.cmpi sgt, %select_n3A_33, %gt3A : i32
      %convert_element_type3A_95 = arith.extui %gt3A_94 : i1 to i32
      %cond3A_96 = arith.constant 0 : i32
      %cond3A_97 = arith.cmpi ne, %convert_element_type3A_95, %cond3A_96 : i32
      scf.if %cond3A_97 {
        %scan3A_247 = arith.constant 0 : i32
        %scan3A_248 = arith.constant 0 : i32
        %scan3A_249 = arith.constant 14 : i32
        %scan3A_250 = arith.addi %scan3A_248, %scan3A_249 : i32
        %scan3A_251 = arith.constant 1 : i32
        %scan3A_252 = scf.for %scan3A_254 = %scan3A_248 to %scan3A_250 step %scan3A_251 iter_args(%scan3A_255 = %scan3A_247) -> (i32)  : i32 {
          %mul3A_256 = arith.constant 16 : i32
          %mul3A_257 = arith.muli %scan3A_254, %mul3A_256 : i32
          %get3A_258 = arith.constant 7 : i32
          %get3A_259 = arith.index_cast %get3A_258 : i32 to index
          %get3A_260 = arith.index_cast %mul3A_257 : i32 to index
          %get3A_261 = tpu.vector_load %arg7[%get3A_259, %get3A_260] {strides = array<i32>} : memref<8x224xf32, #tpu.memory_space<vmem>>, vector<1x16xf32>,
          %get3A_262 = vector.shape_cast %get3A_261 : vector<1x16xf32> to vector<16xf32>
          %mul3A_263 = arith.constant 16 : i32
          %mul3A_264 = arith.muli %scan3A_254, %mul3A_263 : i32
          %swap3A_265 = arith.constant 7 : i32
          %swap3A_266 = arith.index_cast %swap3A_265 : i32 to index
          %swap3A_267 = arith.index_cast %mul3A_264 : i32 to index
          %swap3A_268 = tpu.vector_load %arg6[%swap3A_266, %swap3A_267] {strides = array<i32>} : memref<41x224xf32, #tpu.memory_space<vmem>>, vector<1x16xf32>,
          %swap3A_269 = vector.shape_cast %swap3A_268 : vector<1x16xf32> to vector<16xf32>
          %swap3A_270 = vector.shape_cast %get3A_262 : vector<16xf32> to vector<1x16xf32>
          tpu.vector_store %arg6[%swap3A_266, %swap3A_267], %swap3A_270 {strides = array<i32>} : memref<41x224xf32, #tpu.memory_space<vmem>>, vector<1x16xf32>,
          %scan3A_271 = arith.constant 0 : i32
          scf.yield %scan3A_271 : i32
        }
        %scan3A_253 = arith.constant 14 : i32
      } else {
      }
      %eq3A_98 = arith.constant 0 : i32
      %eq3A_99 = arith.cmpi eq, %select_n3A_33, %eq3A_98 : i32
      %convert_element_type3A_100 = arith.extui %eq3A_99 : i1 to i32
      %cond3A_101 = arith.constant 0 : i32
      %cond3A_102 = arith.cmpi ne, %convert_element_type3A_100, %cond3A_101 : i32
      scf.if %cond3A_102 {
        %scan3A_247 = arith.constant 0 : i32
        %scan3A_248 = arith.constant 0 : i32
        %scan3A_249 = arith.constant 14 : i32
        %scan3A_250 = arith.addi %scan3A_248, %scan3A_249 : i32
        %scan3A_251 = arith.constant 1 : i32
        %scan3A_252 = scf.for %scan3A_254 = %scan3A_248 to %scan3A_250 step %scan3A_251 iter_args(%scan3A_255 = %scan3A_247) -> (i32)  : i32 {
          %mul3A_256 = arith.constant 16 : i32
          %mul3A_257 = arith.muli %scan3A_254, %mul3A_256 : i32
          %swap3A_258 = arith.constant 7 : i32
          %swap3A_259 = arith.index_cast %swap3A_258 : i32 to index
          %swap3A_260 = arith.index_cast %mul3A_257 : i32 to index
          %swap3A_261 = tpu.vector_load %arg6[%swap3A_259, %swap3A_260] {strides = array<i32>} : memref<41x224xf32, #tpu.memory_space<vmem>>, vector<1x16xf32>,
          %swap3A_262 = vector.shape_cast %swap3A_261 : vector<1x16xf32> to vector<16xf32>
          %swap3A_263 = vector.shape_cast %broadcast_in_dim3A_36 : vector<16xf32> to vector<1x16xf32>
          tpu.vector_store %arg6[%swap3A_259, %swap3A_260], %swap3A_263 {strides = array<i32>} : memref<41x224xf32, #tpu.memory_space<vmem>>, vector<1x16xf32>,
          %scan3A_264 = arith.constant 0 : i32
          scf.yield %scan3A_264 : i32
        }
        %scan3A_253 = arith.constant 14 : i32
      } else {
      }
      %lt3A_103 = arith.constant 6 : i32
      %lt3A_104 = arith.cmpi slt, %select_n3A_33, %lt3A_103 : i32
      %convert_element_type3A_105 = arith.extui %lt3A_104 : i1 to i32
      %cond3A_106 = arith.constant 0 : i32
      %cond3A_107 = arith.cmpi ne, %convert_element_type3A_105, %cond3A_106 : i32
      scf.if %cond3A_107 {
        %scan3A_247 = arith.constant 0 : i32
        %scan3A_248 = arith.constant 0 : i32
        %scan3A_249 = arith.constant 14 : i32
        %scan3A_250 = arith.addi %scan3A_248, %scan3A_249 : i32
        %scan3A_251 = arith.constant 1 : i32
        %scan3A_252 = scf.for %scan3A_254 = %scan3A_248 to %scan3A_250 step %scan3A_251 iter_args(%scan3A_255 = %scan3A_247) -> (i32)  : i32 {
          %mul3A_256 = arith.constant 16 : i32
          %mul3A_257 = arith.muli %scan3A_254, %mul3A_256 : i32
          %get3A_258 = arith.constant 0 : i32
          %get3A_259 = arith.index_cast %get3A_258 : i32 to index
          %get3A_260 = arith.index_cast %mul3A_257 : i32 to index
          %get3A_261 = tpu.vector_load %arg8[%get3A_259, %get3A_260] {strides = array<i32>} : memref<8x224xf32, #tpu.memory_space<vmem>>, vector<1x16xf32>,
          %get3A_262 = vector.shape_cast %get3A_261 : vector<1x16xf32> to vector<16xf32>
          %mul3A_263 = arith.constant 16 : i32
          %mul3A_264 = arith.muli %scan3A_254, %mul3A_263 : i32
          %swap3A_265 = arith.constant 40 : i32
          %swap3A_266 = arith.index_cast %swap3A_265 : i32 to index
          %swap3A_267 = arith.index_cast %mul3A_264 : i32 to index
          %swap3A_268 = tpu.vector_load %arg6[%swap3A_266, %swap3A_267] {strides = array<i32>} : memref<41x224xf32, #tpu.memory_space<vmem>>, vector<1x16xf32>,
          %swap3A_269 = vector.shape_cast %swap3A_268 : vector<1x16xf32> to vector<16xf32>
          %swap3A_270 = vector.shape_cast %get3A_262 : vector<16xf32> to vector<1x16xf32>
          tpu.vector_store %arg6[%swap3A_266, %swap3A_267], %swap3A_270 {strides = array<i32>} : memref<41x224xf32, #tpu.memory_space<vmem>>, vector<1x16xf32>,
          %scan3A_271 = arith.constant 0 : i32
          scf.yield %scan3A_271 : i32
        }
        %scan3A_253 = arith.constant 14 : i32
      } else {
      }
      %eq3A_108 = arith.constant 6 : i32
      %eq3A_109 = arith.cmpi eq, %select_n3A_33, %eq3A_108 : i32
      %convert_element_type3A_110 = arith.extui %eq3A_109 : i1 to i32
      %cond3A_111 = arith.constant 0 : i32
      %cond3A_112 = arith.cmpi ne, %convert_element_type3A_110, %cond3A_111 : i32
      scf.if %cond3A_112 {
        %scan3A_247 = arith.constant 0 : i32
        %scan3A_248 = arith.constant 0 : i32
        %scan3A_249 = arith.constant 14 : i32
        %scan3A_250 = arith.addi %scan3A_248, %scan3A_249 : i32
        %scan3A_251 = arith.constant 1 : i32
        %scan3A_252 = scf.for %scan3A_254 = %scan3A_248 to %scan3A_250 step %scan3A_251 iter_args(%scan3A_255 = %scan3A_247) -> (i32)  : i32 {
          %mul3A_256 = arith.constant 16 : i32
          %mul3A_257 = arith.muli %scan3A_254, %mul3A_256 : i32
          %swap3A_258 = arith.constant 40 : i32
          %swap3A_259 = arith.index_cast %swap3A_258 : i32 to index
          %swap3A_260 = arith.index_cast %mul3A_257 : i32 to index
          %swap3A_261 = tpu.vector_load %arg6[%swap3A_259, %swap3A_260] {strides = array<i32>} : memref<41x224xf32, #tpu.memory_space<vmem>>, vector<1x16xf32>,
          %swap3A_262 = vector.shape_cast %swap3A_261 : vector<1x16xf32> to vector<16xf32>
          %swap3A_263 = vector.shape_cast %broadcast_in_dim3A_36 : vector<16xf32> to vector<1x16xf32>
          tpu.vector_store %arg6[%swap3A_259, %swap3A_260], %swap3A_263 {strides = array<i32>} : memref<41x224xf32, #tpu.memory_space<vmem>>, vector<1x16xf32>,
          %scan3A_264 = arith.constant 0 : i32
          scf.yield %scan3A_264 : i32
        }
        %scan3A_253 = arith.constant 14 : i32
      } else {
      }
      %swap3A = arith.constant 0 : index
      %swap3A_113 = tpu.vector_load %arg10[%swap3A] {strides = array<i32>} : memref<7200xf32, #tpu.memory_space<vmem>>, vector<16xf32>,
      %swap3A_114 = vector.shape_cast %swap3A_113 : vector<16xf32> to vector<16xf32>
      %swap3A_115 = vector.shape_cast %broadcast_in_dim3A_36 : vector<16xf32> to vector<16xf32>
      tpu.vector_store %arg10[%swap3A], %swap3A_115 {strides = array<i32>} : memref<7200xf32, #tpu.memory_space<vmem>>, vector<16xf32>,
      %swap3A_116 = arith.constant 7184 : index
      %swap3A_117 = tpu.vector_load %arg10[%swap3A_116] {strides = array<i32>} : memref<7200xf32, #tpu.memory_space<vmem>>, vector<16xf32>,
      %swap3A_118 = vector.shape_cast %swap3A_117 : vector<16xf32> to vector<16xf32>
      %swap3A_119 = vector.shape_cast %broadcast_in_dim3A_36 : vector<16xf32> to vector<16xf32>
      tpu.vector_store %arg10[%swap3A_116], %swap3A_119 {strides = array<i32>} : memref<7200xf32, #tpu.memory_space<vmem>>, vector<16xf32>,
      %iota3A = tpu.iota {dimensions = array<i32: 0>} : vector<16xi32>
      %eq3A_120 = arith.constant 0 : i32
      %eq3A_121 = vector.broadcast %eq3A_120 : i32 to vector<16xi32>
      %eq3A_122 = arith.cmpi eq, %iota3A, %eq3A_121 : vector<16xi32>
      %eq3A_123 = arith.constant 15 : i32
      %eq3A_124 = vector.broadcast %eq3A_123 : i32 to vector<16xi32>
      %eq3A_125 = arith.cmpi eq, %iota3A, %eq3A_124 : vector<16xi32>
      %get3A = arith.constant 224 : index
      %get3A_126 = tpu.vector_load %arg12[%get3A] {strides = array<i32>} : memref<448xf32, #tpu.memory_space<vmem>>, vector<16xf32>,
      %get3A_127 = vector.shape_cast %get3A_126 : vector<16xf32> to vector<16xf32>
      %get3A_128 = arith.constant 240 : index
      %get3A_129 = tpu.vector_load %arg12[%get3A_128] {strides = array<i32>} : memref<448xf32, #tpu.memory_space<vmem>>, vector<16xf32>,
      %get3A_130 = vector.shape_cast %get3A_129 : vector<16xf32> to vector<16xf32>
      %get3A_131 = arith.constant 256 : index
      %get3A_132 = tpu.vector_load %arg12[%get3A_131] {strides = array<i32>} : memref<448xf32, #tpu.memory_space<vmem>>, vector<16xf32>,
      %get3A_133 = vector.shape_cast %get3A_132 : vector<16xf32> to vector<16xf32>
      %get3A_134 = arith.constant 272 : index
      %get3A_135 = tpu.vector_load %arg12[%get3A_134] {strides = array<i32>} : memref<448xf32, #tpu.memory_space<vmem>>, vector<16xf32>,
      %get3A_136 = vector.shape_cast %get3A_135 : vector<16xf32> to vector<16xf32>
      %get3A_137 = arith.constant 288 : index
      %get3A_138 = tpu.vector_load %arg12[%get3A_137] {strides = array<i32>} : memref<448xf32, #tpu.memory_space<vmem>>, vector<16xf32>,
      %get3A_139 = vector.shape_cast %get3A_138 : vector<16xf32> to vector<16xf32>
      %get3A_140 = arith.constant 304 : index
      %get3A_141 = tpu.vector_load %arg12[%get3A_140] {strides = array<i32>} : memref<448xf32, #tpu.memory_space<vmem>>, vector<16xf32>,
      %get3A_142 = vector.shape_cast %get3A_141 : vector<16xf32> to vector<16xf32>
      %get3A_143 = arith.constant 320 : index
      %get3A_144 = tpu.vector_load %arg12[%get3A_143] {strides = array<i32>} : memref<448xf32, #tpu.memory_space<vmem>>, vector<16xf32>,
      %get3A_145 = vector.shape_cast %get3A_144 : vector<16xf32> to vector<16xf32>
      %get3A_146 = arith.constant 336 : index
      %get3A_147 = tpu.vector_load %arg12[%get3A_146] {strides = array<i32>} : memref<448xf32, #tpu.memory_space<vmem>>, vector<16xf32>,
      %get3A_148 = vector.shape_cast %get3A_147 : vector<16xf32> to vector<16xf32>
      %get3A_149 = arith.constant 352 : index
      %get3A_150 = tpu.vector_load %arg12[%get3A_149] {strides = array<i32>} : memref<448xf32, #tpu.memory_space<vmem>>, vector<16xf32>,
      %get3A_151 = vector.shape_cast %get3A_150 : vector<16xf32> to vector<16xf32>
      %get3A_152 = arith.constant 368 : index
      %get3A_153 = tpu.vector_load %arg12[%get3A_152] {strides = array<i32>} : memref<448xf32, #tpu.memory_space<vmem>>, vector<16xf32>,
      %get3A_154 = vector.shape_cast %get3A_153 : vector<16xf32> to vector<16xf32>
      %get3A_155 = arith.constant 384 : index
      %get3A_156 = tpu.vector_load %arg12[%get3A_155] {strides = array<i32>} : memref<448xf32, #tpu.memory_space<vmem>>, vector<16xf32>,
      %get3A_157 = vector.shape_cast %get3A_156 : vector<16xf32> to vector<16xf32>
      %get3A_158 = arith.constant 400 : index
      %get3A_159 = tpu.vector_load %arg12[%get3A_158] {strides = array<i32>} : memref<448xf32, #tpu.memory_space<vmem>>, vector<16xf32>,
      %get3A_160 = vector.shape_cast %get3A_159 : vector<16xf32> to vector<16xf32>
      %get3A_161 = arith.constant 416 : index
      %get3A_162 = tpu.vector_load %arg12[%get3A_161] {strides = array<i32>} : memref<448xf32, #tpu.memory_space<vmem>>, vector<16xf32>,
      %get3A_163 = vector.shape_cast %get3A_162 : vector<16xf32> to vector<16xf32>
      %get3A_164 = arith.constant 432 : index
      %get3A_165 = tpu.vector_load %arg12[%get3A_164] {strides = array<i32>} : memref<448xf32, #tpu.memory_space<vmem>>, vector<16xf32>,
      %get3A_166 = vector.shape_cast %get3A_165 : vector<16xf32> to vector<16xf32>
      %get3A_167 = arith.constant 0 : index
      %get3A_168 = tpu.vector_load %arg12[%get3A_167] {strides = array<i32>} : memref<448xf32, #tpu.memory_space<vmem>>, vector<16xf32>,
      %get3A_169 = vector.shape_cast %get3A_168 : vector<16xf32> to vector<16xf32>
      %sub3A_170 = arith.subf %get3A_169, %get3A_127 : vector<16xf32>
      %get3A_171 = arith.constant 16 : index
      %get3A_172 = tpu.vector_load %arg12[%get3A_171] {strides = array<i32>} : memref<448xf32, #tpu.memory_space<vmem>>, vector<16xf32>,
      %get3A_173 = vector.shape_cast %get3A_172 : vector<16xf32> to vector<16xf32>
      %sub3A_174 = arith.subf %get3A_173, %get3A_130 : vector<16xf32>
      %get3A_175 = arith.constant 32 : index
      %get3A_176 = tpu.vector_load %arg12[%get3A_175] {strides = array<i32>} : memref<448xf32, #tpu.memory_space<vmem>>, vector<16xf32>,
      %get3A_177 = vector.shape_cast %get3A_176 : vector<16xf32> to vector<16xf32>
      %sub3A_178 = arith.subf %get3A_177, %get3A_133 : vector<16xf32>
      %get3A_179 = arith.constant 48 : index
      %get3A_180 = tpu.vector_load %arg12[%get3A_179] {strides = array<i32>} : memref<448xf32, #tpu.memory_space<vmem>>, vector<16xf32>,
      %get3A_181 = vector.shape_cast %get3A_180 : vector<16xf32> to vector<16xf32>
      %sub3A_182 = arith.subf %get3A_181, %get3A_136 : vector<16xf32>
      %get3A_183 = arith.constant 64 : index
      %get3A_184 = tpu.vector_load %arg12[%get3A_183] {strides = array<i32>} : memref<448xf32, #tpu.memory_space<vmem>>, vector<16xf32>,
      %get3A_185 = vector.shape_cast %get3A_184 : vector<16xf32> to vector<16xf32>
      %sub3A_186 = arith.subf %get3A_185, %get3A_139 : vector<16xf32>
      %get3A_187 = arith.constant 80 : index
      %get3A_188 = tpu.vector_load %arg12[%get3A_187] {strides = array<i32>} : memref<448xf32, #tpu.memory_space<vmem>>, vector<16xf32>,
      %get3A_189 = vector.shape_cast %get3A_188 : vector<16xf32> to vector<16xf32>
      %sub3A_190 = arith.subf %get3A_189, %get3A_142 : vector<16xf32>
      %get3A_191 = arith.constant 96 : index
      %get3A_192 = tpu.vector_load %arg12[%get3A_191] {strides = array<i32>} : memref<448xf32, #tpu.memory_space<vmem>>, vector<16xf32>,
      %get3A_193 = vector.shape_cast %get3A_192 : vector<16xf32> to vector<16xf32>
      %sub3A_194 = arith.subf %get3A_193, %get3A_145 : vector<16xf32>
      %get3A_195 = arith.constant 112 : index
      %get3A_196 = tpu.vector_load %arg12[%get3A_195] {strides = array<i32>} : memref<448xf32, #tpu.memory_space<vmem>>, vector<16xf32>,
      %get3A_197 = vector.shape_cast %get3A_196 : vector<16xf32> to vector<16xf32>
      %sub3A_198 = arith.subf %get3A_197, %get3A_148 : vector<16xf32>
      %get3A_199 = arith.constant 128 : index
      %get3A_200 = tpu.vector_load %arg12[%get3A_199] {strides = array<i32>} : memref<448xf32, #tpu.memory_space<vmem>>, vector<16xf32>,
      %get3A_201 = vector.shape_cast %get3A_200 : vector<16xf32> to vector<16xf32>
      %sub3A_202 = arith.subf %get3A_201, %get3A_151 : vector<16xf32>
      %get3A_203 = arith.constant 144 : index
      %get3A_204 = tpu.vector_load %arg12[%get3A_203] {strides = array<i32>} : memref<448xf32, #tpu.memory_space<vmem>>, vector<16xf32>,
      %get3A_205 = vector.shape_cast %get3A_204 : vector<16xf32> to vector<16xf32>
      %sub3A_206 = arith.subf %get3A_205, %get3A_154 : vector<16xf32>
      %get3A_207 = arith.constant 160 : index
      %get3A_208 = tpu.vector_load %arg12[%get3A_207] {strides = array<i32>} : memref<448xf32, #tpu.memory_space<vmem>>, vector<16xf32>,
      %get3A_209 = vector.shape_cast %get3A_208 : vector<16xf32> to vector<16xf32>
      %sub3A_210 = arith.subf %get3A_209, %get3A_157 : vector<16xf32>
      %get3A_211 = arith.constant 176 : index
      %get3A_212 = tpu.vector_load %arg12[%get3A_211] {strides = array<i32>} : memref<448xf32, #tpu.memory_space<vmem>>, vector<16xf32>,
      %get3A_213 = vector.shape_cast %get3A_212 : vector<16xf32> to vector<16xf32>
      %sub3A_214 = arith.subf %get3A_213, %get3A_160 : vector<16xf32>
      %get3A_215 = arith.constant 192 : index
      %get3A_216 = tpu.vector_load %arg12[%get3A_215] {strides = array<i32>} : memref<448xf32, #tpu.memory_space<vmem>>, vector<16xf32>,
      %get3A_217 = vector.shape_cast %get3A_216 : vector<16xf32> to vector<16xf32>
      %sub3A_218 = arith.subf %get3A_217, %get3A_163 : vector<16xf32>
      %get3A_219 = arith.constant 208 : index
      %get3A_220 = tpu.vector_load %arg12[%get3A_219] {strides = array<i32>} : memref<448xf32, #tpu.memory_space<vmem>>, vector<16xf32>,
      %get3A_221 = vector.shape_cast %get3A_220 : vector<16xf32> to vector<16xf32>
      %sub3A_222 = arith.subf %get3A_221, %get3A_166 : vector<16xf32>
      %scan3A = arith.constant 0 : i32
      %scan3A_223 = arith.constant 0 : i32
      %scan3A_224 = arith.constant 34 : i32
      %scan3A_225 = arith.addi %scan3A_223, %scan3A_224 : i32
      %scan3A_226 = arith.constant 1 : i32
      %scan3A_227 = scf.for %scan3A_247 = %scan3A_223 to %scan3A_225 step %scan3A_226 iter_args(%scan3A_248 = %scan3A) -> (i32)  : i32 {
        %sub3A_249 = arith.constant 1 : i32
        %sub3A_250 = arith.subi %multiple_of3A, %sub3A_249 : i32
        %add3A_251 = arith.addi %sub3A_250, %scan3A_247 : i32
        %eq3A_252 = arith.constant 0 : i32
        %eq3A_253 = arith.cmpi eq, %add3A_251, %eq3A_252 : i32
        %eq3A_254 = arith.constant 223 : i32
        %eq3A_255 = arith.cmpi eq, %add3A_251, %eq3A_254 : i32
        %or3A = arith.ori %eq3A_253, %eq3A_255 : i1
        %jit3A_256 = arith.constant 1.000000e+00 : f32
        %jit3A_257 = arith.constant 0.000000e+00 : f32
        %select_n3A_258 = arith.select %or3A, %jit3A_256, %jit3A_257 : f32
        %mul3A_259 = vector.broadcast %select_n3A_258 : f32 to vector<16xf32>
        %mul3A_260 = arith.mulf %mul3A_259, %sub3A_170 : vector<16xf32>
        %add3A_261 = arith.addf %get3A_127, %mul3A_260 : vector<16xf32>
        %mul3A_262 = arith.constant 224 : i32
        %mul3A_263 = arith.muli %scan3A_247, %mul3A_262 : i32
        %add3A_264 = arith.constant 0 : i32
        %add3A_265 = arith.addi %mul3A_263, %add3A_264 : i32
        %add3A_266 = arith.constant 7 : i32
        %add3A_267 = arith.addi %add3A_266, %scan3A_247 : i32
        %get3A_268 = arith.index_cast %add3A_267 : i32 to index
        %get3A_269 = arith.constant 0 : index
        %get3A_270 = tpu.vector_load %arg6[%get3A_268, %get3A_269] {strides = array<i32>} : memref<41x224xf32, #tpu.memory_space<vmem>>, vector<1x16xf32>,
        %get3A_271 = vector.shape_cast %get3A_270 : vector<1x16xf32> to vector<16xf32>
        %mul3A_272 = arith.mulf %get3A_271, %add3A_261 : vector<16xf32>
        %swap3A_273 = arith.index_cast %add3A_265 : i32 to index
        %swap3A_274 = tpu.vector_load %arg9[%swap3A_273] {strides = array<i32>} : memref<7616xf32, #tpu.memory_space<vmem>>, vector<16xf32>,
        %swap3A_275 = vector.shape_cast %swap3A_274 : vector<16xf32> to vector<16xf32>
        %swap3A_276 = vector.shape_cast %mul3A_272 : vector<16xf32> to vector<16xf32>
        tpu.vector_store %arg9[%swap3A_273], %swap3A_276 {strides = array<i32>} : memref<7616xf32, #tpu.memory_space<vmem>>, vector<16xf32>,
        %mul3A_277 = vector.broadcast %select_n3A_258 : f32 to vector<16xf32>
        %mul3A_278 = arith.mulf %mul3A_277, %sub3A_174 : vector<16xf32>
        %add3A_279 = arith.addf %get3A_130, %mul3A_278 : vector<16xf32>
        %mul3A_280 = arith.constant 224 : i32
        %mul3A_281 = arith.muli %scan3A_247, %mul3A_280 : i32
        %add3A_282 = arith.constant 16 : i32
        %add3A_283 = arith.addi %mul3A_281, %add3A_282 : i32
        %add3A_284 = arith.constant 7 : i32
        %add3A_285 = arith.addi %add3A_284, %scan3A_247 : i32
        %get3A_286 = arith.index_cast %add3A_285 : i32 to index
        %get3A_287 = arith.constant 16 : index
        %get3A_288 = tpu.vector_load %arg6[%get3A_286, %get3A_287] {strides = array<i32>} : memref<41x224xf32, #tpu.memory_space<vmem>>, vector<1x16xf32>,
        %get3A_289 = vector.shape_cast %get3A_288 : vector<1x16xf32> to vector<16xf32>
        %mul3A_290 = arith.mulf %get3A_289, %add3A_279 : vector<16xf32>
        %swap3A_291 = arith.index_cast %add3A_283 : i32 to index
        %swap3A_292 = tpu.vector_load %arg9[%swap3A_291] {strides = array<i32>} : memref<7616xf32, #tpu.memory_space<vmem>>, vector<16xf32>,
        %swap3A_293 = vector.shape_cast %swap3A_292 : vector<16xf32> to vector<16xf32>
        %swap3A_294 = vector.shape_cast %mul3A_290 : vector<16xf32> to vector<16xf32>
        tpu.vector_store %arg9[%swap3A_291], %swap3A_294 {strides = array<i32>} : memref<7616xf32, #tpu.memory_space<vmem>>, vector<16xf32>,
        %mul3A_295 = vector.broadcast %select_n3A_258 : f32 to vector<16xf32>
        %mul3A_296 = arith.mulf %mul3A_295, %sub3A_178 : vector<16xf32>
        %add3A_297 = arith.addf %get3A_133, %mul3A_296 : vector<16xf32>
        %mul3A_298 = arith.constant 224 : i32
        %mul3A_299 = arith.muli %scan3A_247, %mul3A_298 : i32
        %add3A_300 = arith.constant 32 : i32
        %add3A_301 = arith.addi %mul3A_299, %add3A_300 : i32
        %add3A_302 = arith.constant 7 : i32
        %add3A_303 = arith.addi %add3A_302, %scan3A_247 : i32
        %get3A_304 = arith.index_cast %add3A_303 : i32 to index
        %get3A_305 = arith.constant 32 : index
        %get3A_306 = tpu.vector_load %arg6[%get3A_304, %get3A_305] {strides = array<i32>} : memref<41x224xf32, #tpu.memory_space<vmem>>, vector<1x16xf32>,
        %get3A_307 = vector.shape_cast %get3A_306 : vector<1x16xf32> to vector<16xf32>
        %mul3A_308 = arith.mulf %get3A_307, %add3A_297 : vector<16xf32>
        %swap3A_309 = arith.index_cast %add3A_301 : i32 to index
        %swap3A_310 = tpu.vector_load %arg9[%swap3A_309] {strides = array<i32>} : memref<7616xf32, #tpu.memory_space<vmem>>, vector<16xf32>,
        %swap3A_311 = vector.shape_cast %swap3A_310 : vector<16xf32> to vector<16xf32>
        %swap3A_312 = vector.shape_cast %mul3A_308 : vector<16xf32> to vector<16xf32>
        tpu.vector_store %arg9[%swap3A_309], %swap3A_312 {strides = array<i32>} : memref<7616xf32, #tpu.memory_space<vmem>>, vector<16xf32>,
        %mul3A_313 = vector.broadcast %select_n3A_258 : f32 to vector<16xf32>
        %mul3A_314 = arith.mulf %mul3A_313, %sub3A_182 : vector<16xf32>
        %add3A_315 = arith.addf %get3A_136, %mul3A_314 : vector<16xf32>
        %mul3A_316 = arith.constant 224 : i32
        %mul3A_317 = arith.muli %scan3A_247, %mul3A_316 : i32
        %add3A_318 = arith.constant 48 : i32
        %add3A_319 = arith.addi %mul3A_317, %add3A_318 : i32
        %add3A_320 = arith.constant 7 : i32
        %add3A_321 = arith.addi %add3A_320, %scan3A_247 : i32
        %get3A_322 = arith.index_cast %add3A_321 : i32 to index
        %get3A_323 = arith.constant 48 : index
        %get3A_324 = tpu.vector_load %arg6[%get3A_322, %get3A_323] {strides = array<i32>} : memref<41x224xf32, #tpu.memory_space<vmem>>, vector<1x16xf32>,
        %get3A_325 = vector.shape_cast %get3A_324 : vector<1x16xf32> to vector<16xf32>
        %mul3A_326 = arith.mulf %get3A_325, %add3A_315 : vector<16xf32>
        %swap3A_327 = arith.index_cast %add3A_319 : i32 to index
        %swap3A_328 = tpu.vector_load %arg9[%swap3A_327] {strides = array<i32>} : memref<7616xf32, #tpu.memory_space<vmem>>, vector<16xf32>,
        %swap3A_329 = vector.shape_cast %swap3A_328 : vector<16xf32> to vector<16xf32>
        %swap3A_330 = vector.shape_cast %mul3A_326 : vector<16xf32> to vector<16xf32>
        tpu.vector_store %arg9[%swap3A_327], %swap3A_330 {strides = array<i32>} : memref<7616xf32, #tpu.memory_space<vmem>>, vector<16xf32>,
        %mul3A_331 = vector.broadcast %select_n3A_258 : f32 to vector<16xf32>
        %mul3A_332 = arith.mulf %mul3A_331, %sub3A_186 : vector<16xf32>
        %add3A_333 = arith.addf %get3A_139, %mul3A_332 : vector<16xf32>
        %mul3A_334 = arith.constant 224 : i32
        %mul3A_335 = arith.muli %scan3A_247, %mul3A_334 : i32
        %add3A_336 = arith.constant 64 : i32
        %add3A_337 = arith.addi %mul3A_335, %add3A_336 : i32
        %add3A_338 = arith.constant 7 : i32
        %add3A_339 = arith.addi %add3A_338, %scan3A_247 : i32
        %get3A_340 = arith.index_cast %add3A_339 : i32 to index
        %get3A_341 = arith.constant 64 : index
        %get3A_342 = tpu.vector_load %arg6[%get3A_340, %get3A_341] {strides = array<i32>} : memref<41x224xf32, #tpu.memory_space<vmem>>, vector<1x16xf32>,
        %get3A_343 = vector.shape_cast %get3A_342 : vector<1x16xf32> to vector<16xf32>
        %mul3A_344 = arith.mulf %get3A_343, %add3A_333 : vector<16xf32>
        %swap3A_345 = arith.index_cast %add3A_337 : i32 to index
        %swap3A_346 = tpu.vector_load %arg9[%swap3A_345] {strides = array<i32>} : memref<7616xf32, #tpu.memory_space<vmem>>, vector<16xf32>,
        %swap3A_347 = vector.shape_cast %swap3A_346 : vector<16xf32> to vector<16xf32>
        %swap3A_348 = vector.shape_cast %mul3A_344 : vector<16xf32> to vector<16xf32>
        tpu.vector_store %arg9[%swap3A_345], %swap3A_348 {strides = array<i32>} : memref<7616xf32, #tpu.memory_space<vmem>>, vector<16xf32>,
        %mul3A_349 = vector.broadcast %select_n3A_258 : f32 to vector<16xf32>
        %mul3A_350 = arith.mulf %mul3A_349, %sub3A_190 : vector<16xf32>
        %add3A_351 = arith.addf %get3A_142, %mul3A_350 : vector<16xf32>
        %mul3A_352 = arith.constant 224 : i32
        %mul3A_353 = arith.muli %scan3A_247, %mul3A_352 : i32
        %add3A_354 = arith.constant 80 : i32
        %add3A_355 = arith.addi %mul3A_353, %add3A_354 : i32
        %add3A_356 = arith.constant 7 : i32
        %add3A_357 = arith.addi %add3A_356, %scan3A_247 : i32
        %get3A_358 = arith.index_cast %add3A_357 : i32 to index
        %get3A_359 = arith.constant 80 : index
        %get3A_360 = tpu.vector_load %arg6[%get3A_358, %get3A_359] {strides = array<i32>} : memref<41x224xf32, #tpu.memory_space<vmem>>, vector<1x16xf32>,
        %get3A_361 = vector.shape_cast %get3A_360 : vector<1x16xf32> to vector<16xf32>
        %mul3A_362 = arith.mulf %get3A_361, %add3A_351 : vector<16xf32>
        %swap3A_363 = arith.index_cast %add3A_355 : i32 to index
        %swap3A_364 = tpu.vector_load %arg9[%swap3A_363] {strides = array<i32>} : memref<7616xf32, #tpu.memory_space<vmem>>, vector<16xf32>,
        %swap3A_365 = vector.shape_cast %swap3A_364 : vector<16xf32> to vector<16xf32>
        %swap3A_366 = vector.shape_cast %mul3A_362 : vector<16xf32> to vector<16xf32>
        tpu.vector_store %arg9[%swap3A_363], %swap3A_366 {strides = array<i32>} : memref<7616xf32, #tpu.memory_space<vmem>>, vector<16xf32>,
        %mul3A_367 = vector.broadcast %select_n3A_258 : f32 to vector<16xf32>
        %mul3A_368 = arith.mulf %mul3A_367, %sub3A_194 : vector<16xf32>
        %add3A_369 = arith.addf %get3A_145, %mul3A_368 : vector<16xf32>
        %mul3A_370 = arith.constant 224 : i32
        %mul3A_371 = arith.muli %scan3A_247, %mul3A_370 : i32
        %add3A_372 = arith.constant 96 : i32
        %add3A_373 = arith.addi %mul3A_371, %add3A_372 : i32
        %add3A_374 = arith.constant 7 : i32
        %add3A_375 = arith.addi %add3A_374, %scan3A_247 : i32
        %get3A_376 = arith.index_cast %add3A_375 : i32 to index
        %get3A_377 = arith.constant 96 : index
        %get3A_378 = tpu.vector_load %arg6[%get3A_376, %get3A_377] {strides = array<i32>} : memref<41x224xf32, #tpu.memory_space<vmem>>, vector<1x16xf32>,
        %get3A_379 = vector.shape_cast %get3A_378 : vector<1x16xf32> to vector<16xf32>
        %mul3A_380 = arith.mulf %get3A_379, %add3A_369 : vector<16xf32>
        %swap3A_381 = arith.index_cast %add3A_373 : i32 to index
        %swap3A_382 = tpu.vector_load %arg9[%swap3A_381] {strides = array<i32>} : memref<7616xf32, #tpu.memory_space<vmem>>, vector<16xf32>,
        %swap3A_383 = vector.shape_cast %swap3A_382 : vector<16xf32> to vector<16xf32>
        %swap3A_384 = vector.shape_cast %mul3A_380 : vector<16xf32> to vector<16xf32>
        tpu.vector_store %arg9[%swap3A_381], %swap3A_384 {strides = array<i32>} : memref<7616xf32, #tpu.memory_space<vmem>>, vector<16xf32>,
        %mul3A_385 = vector.broadcast %select_n3A_258 : f32 to vector<16xf32>
        %mul3A_386 = arith.mulf %mul3A_385, %sub3A_198 : vector<16xf32>
        %add3A_387 = arith.addf %get3A_148, %mul3A_386 : vector<16xf32>
        %mul3A_388 = arith.constant 224 : i32
        %mul3A_389 = arith.muli %scan3A_247, %mul3A_388 : i32
        %add3A_390 = arith.constant 112 : i32
        %add3A_391 = arith.addi %mul3A_389, %add3A_390 : i32
        %add3A_392 = arith.constant 7 : i32
        %add3A_393 = arith.addi %add3A_392, %scan3A_247 : i32
        %get3A_394 = arith.index_cast %add3A_393 : i32 to index
        %get3A_395 = arith.constant 112 : index
        %get3A_396 = tpu.vector_load %arg6[%get3A_394, %get3A_395] {strides = array<i32>} : memref<41x224xf32, #tpu.memory_space<vmem>>, vector<1x16xf32>,
        %get3A_397 = vector.shape_cast %get3A_396 : vector<1x16xf32> to vector<16xf32>
        %mul3A_398 = arith.mulf %get3A_397, %add3A_387 : vector<16xf32>
        %swap3A_399 = arith.index_cast %add3A_391 : i32 to index
        %swap3A_400 = tpu.vector_load %arg9[%swap3A_399] {strides = array<i32>} : memref<7616xf32, #tpu.memory_space<vmem>>, vector<16xf32>,
        %swap3A_401 = vector.shape_cast %swap3A_400 : vector<16xf32> to vector<16xf32>
        %swap3A_402 = vector.shape_cast %mul3A_398 : vector<16xf32> to vector<16xf32>
        tpu.vector_store %arg9[%swap3A_399], %swap3A_402 {strides = array<i32>} : memref<7616xf32, #tpu.memory_space<vmem>>, vector<16xf32>,
        %mul3A_403 = vector.broadcast %select_n3A_258 : f32 to vector<16xf32>
        %mul3A_404 = arith.mulf %mul3A_403, %sub3A_202 : vector<16xf32>
        %add3A_405 = arith.addf %get3A_151, %mul3A_404 : vector<16xf32>
        %mul3A_406 = arith.constant 224 : i32
        %mul3A_407 = arith.muli %scan3A_247, %mul3A_406 : i32
        %add3A_408 = arith.constant 128 : i32
        %add3A_409 = arith.addi %mul3A_407, %add3A_408 : i32
        %add3A_410 = arith.constant 7 : i32
        %add3A_411 = arith.addi %add3A_410, %scan3A_247 : i32
        %get3A_412 = arith.index_cast %add3A_411 : i32 to index
        %get3A_413 = arith.constant 128 : index
        %get3A_414 = tpu.vector_load %arg6[%get3A_412, %get3A_413] {strides = array<i32>} : memref<41x224xf32, #tpu.memory_space<vmem>>, vector<1x16xf32>,
        %get3A_415 = vector.shape_cast %get3A_414 : vector<1x16xf32> to vector<16xf32>
        %mul3A_416 = arith.mulf %get3A_415, %add3A_405 : vector<16xf32>
        %swap3A_417 = arith.index_cast %add3A_409 : i32 to index
        %swap3A_418 = tpu.vector_load %arg9[%swap3A_417] {strides = array<i32>} : memref<7616xf32, #tpu.memory_space<vmem>>, vector<16xf32>,
        %swap3A_419 = vector.shape_cast %swap3A_418 : vector<16xf32> to vector<16xf32>
        %swap3A_420 = vector.shape_cast %mul3A_416 : vector<16xf32> to vector<16xf32>
        tpu.vector_store %arg9[%swap3A_417], %swap3A_420 {strides = array<i32>} : memref<7616xf32, #tpu.memory_space<vmem>>, vector<16xf32>,
        %mul3A_421 = vector.broadcast %select_n3A_258 : f32 to vector<16xf32>
        %mul3A_422 = arith.mulf %mul3A_421, %sub3A_206 : vector<16xf32>
        %add3A_423 = arith.addf %get3A_154, %mul3A_422 : vector<16xf32>
        %mul3A_424 = arith.constant 224 : i32
        %mul3A_425 = arith.muli %scan3A_247, %mul3A_424 : i32
        %add3A_426 = arith.constant 144 : i32
        %add3A_427 = arith.addi %mul3A_425, %add3A_426 : i32
        %add3A_428 = arith.constant 7 : i32
        %add3A_429 = arith.addi %add3A_428, %scan3A_247 : i32
        %get3A_430 = arith.index_cast %add3A_429 : i32 to index
        %get3A_431 = arith.constant 144 : index
        %get3A_432 = tpu.vector_load %arg6[%get3A_430, %get3A_431] {strides = array<i32>} : memref<41x224xf32, #tpu.memory_space<vmem>>, vector<1x16xf32>,
        %get3A_433 = vector.shape_cast %get3A_432 : vector<1x16xf32> to vector<16xf32>
        %mul3A_434 = arith.mulf %get3A_433, %add3A_423 : vector<16xf32>
        %swap3A_435 = arith.index_cast %add3A_427 : i32 to index
        %swap3A_436 = tpu.vector_load %arg9[%swap3A_435] {strides = array<i32>} : memref<7616xf32, #tpu.memory_space<vmem>>, vector<16xf32>,
        %swap3A_437 = vector.shape_cast %swap3A_436 : vector<16xf32> to vector<16xf32>
        %swap3A_438 = vector.shape_cast %mul3A_434 : vector<16xf32> to vector<16xf32>
        tpu.vector_store %arg9[%swap3A_435], %swap3A_438 {strides = array<i32>} : memref<7616xf32, #tpu.memory_space<vmem>>, vector<16xf32>,
        %mul3A_439 = vector.broadcast %select_n3A_258 : f32 to vector<16xf32>
        %mul3A_440 = arith.mulf %mul3A_439, %sub3A_210 : vector<16xf32>
        %add3A_441 = arith.addf %get3A_157, %mul3A_440 : vector<16xf32>
        %mul3A_442 = arith.constant 224 : i32
        %mul3A_443 = arith.muli %scan3A_247, %mul3A_442 : i32
        %add3A_444 = arith.constant 160 : i32
        %add3A_445 = arith.addi %mul3A_443, %add3A_444 : i32
        %add3A_446 = arith.constant 7 : i32
        %add3A_447 = arith.addi %add3A_446, %scan3A_247 : i32
        %get3A_448 = arith.index_cast %add3A_447 : i32 to index
        %get3A_449 = arith.constant 160 : index
        %get3A_450 = tpu.vector_load %arg6[%get3A_448, %get3A_449] {strides = array<i32>} : memref<41x224xf32, #tpu.memory_space<vmem>>, vector<1x16xf32>,
        %get3A_451 = vector.shape_cast %get3A_450 : vector<1x16xf32> to vector<16xf32>
        %mul3A_452 = arith.mulf %get3A_451, %add3A_441 : vector<16xf32>
        %swap3A_453 = arith.index_cast %add3A_445 : i32 to index
        %swap3A_454 = tpu.vector_load %arg9[%swap3A_453] {strides = array<i32>} : memref<7616xf32, #tpu.memory_space<vmem>>, vector<16xf32>,
        %swap3A_455 = vector.shape_cast %swap3A_454 : vector<16xf32> to vector<16xf32>
        %swap3A_456 = vector.shape_cast %mul3A_452 : vector<16xf32> to vector<16xf32>
        tpu.vector_store %arg9[%swap3A_453], %swap3A_456 {strides = array<i32>} : memref<7616xf32, #tpu.memory_space<vmem>>, vector<16xf32>,
        %mul3A_457 = vector.broadcast %select_n3A_258 : f32 to vector<16xf32>
        %mul3A_458 = arith.mulf %mul3A_457, %sub3A_214 : vector<16xf32>
        %add3A_459 = arith.addf %get3A_160, %mul3A_458 : vector<16xf32>
        %mul3A_460 = arith.constant 224 : i32
        %mul3A_461 = arith.muli %scan3A_247, %mul3A_460 : i32
        %add3A_462 = arith.constant 176 : i32
        %add3A_463 = arith.addi %mul3A_461, %add3A_462 : i32
        %add3A_464 = arith.constant 7 : i32
        %add3A_465 = arith.addi %add3A_464, %scan3A_247 : i32
        %get3A_466 = arith.index_cast %add3A_465 : i32 to index
        %get3A_467 = arith.constant 176 : index
        %get3A_468 = tpu.vector_load %arg6[%get3A_466, %get3A_467] {strides = array<i32>} : memref<41x224xf32, #tpu.memory_space<vmem>>, vector<1x16xf32>,
        %get3A_469 = vector.shape_cast %get3A_468 : vector<1x16xf32> to vector<16xf32>
        %mul3A_470 = arith.mulf %get3A_469, %add3A_459 : vector<16xf32>
        %swap3A_471 = arith.index_cast %add3A_463 : i32 to index
        %swap3A_472 = tpu.vector_load %arg9[%swap3A_471] {strides = array<i32>} : memref<7616xf32, #tpu.memory_space<vmem>>, vector<16xf32>,
        %swap3A_473 = vector.shape_cast %swap3A_472 : vector<16xf32> to vector<16xf32>
        %swap3A_474 = vector.shape_cast %mul3A_470 : vector<16xf32> to vector<16xf32>
        tpu.vector_store %arg9[%swap3A_471], %swap3A_474 {strides = array<i32>} : memref<7616xf32, #tpu.memory_space<vmem>>, vector<16xf32>,
        %mul3A_475 = vector.broadcast %select_n3A_258 : f32 to vector<16xf32>
        %mul3A_476 = arith.mulf %mul3A_475, %sub3A_218 : vector<16xf32>
        %add3A_477 = arith.addf %get3A_163, %mul3A_476 : vector<16xf32>
        %mul3A_478 = arith.constant 224 : i32
        %mul3A_479 = arith.muli %scan3A_247, %mul3A_478 : i32
        %add3A_480 = arith.constant 192 : i32
        %add3A_481 = arith.addi %mul3A_479, %add3A_480 : i32
        %add3A_482 = arith.constant 7 : i32
        %add3A_483 = arith.addi %add3A_482, %scan3A_247 : i32
        %get3A_484 = arith.index_cast %add3A_483 : i32 to index
        %get3A_485 = arith.constant 192 : index
        %get3A_486 = tpu.vector_load %arg6[%get3A_484, %get3A_485] {strides = array<i32>} : memref<41x224xf32, #tpu.memory_space<vmem>>, vector<1x16xf32>,
        %get3A_487 = vector.shape_cast %get3A_486 : vector<1x16xf32> to vector<16xf32>
        %mul3A_488 = arith.mulf %get3A_487, %add3A_477 : vector<16xf32>
        %swap3A_489 = arith.index_cast %add3A_481 : i32 to index
        %swap3A_490 = tpu.vector_load %arg9[%swap3A_489] {strides = array<i32>} : memref<7616xf32, #tpu.memory_space<vmem>>, vector<16xf32>,
        %swap3A_491 = vector.shape_cast %swap3A_490 : vector<16xf32> to vector<16xf32>
        %swap3A_492 = vector.shape_cast %mul3A_488 : vector<16xf32> to vector<16xf32>
        tpu.vector_store %arg9[%swap3A_489], %swap3A_492 {strides = array<i32>} : memref<7616xf32, #tpu.memory_space<vmem>>, vector<16xf32>,
        %mul3A_493 = vector.broadcast %select_n3A_258 : f32 to vector<16xf32>
        %mul3A_494 = arith.mulf %mul3A_493, %sub3A_222 : vector<16xf32>
        %add3A_495 = arith.addf %get3A_166, %mul3A_494 : vector<16xf32>
        %mul3A_496 = arith.constant 224 : i32
        %mul3A_497 = arith.muli %scan3A_247, %mul3A_496 : i32
        %add3A_498 = arith.constant 208 : i32
        %add3A_499 = arith.addi %mul3A_497, %add3A_498 : i32
        %add3A_500 = arith.constant 7 : i32
        %add3A_501 = arith.addi %add3A_500, %scan3A_247 : i32
        %get3A_502 = arith.index_cast %add3A_501 : i32 to index
        %get3A_503 = arith.constant 208 : index
        %get3A_504 = tpu.vector_load %arg6[%get3A_502, %get3A_503] {strides = array<i32>} : memref<41x224xf32, #tpu.memory_space<vmem>>, vector<1x16xf32>,
        %get3A_505 = vector.shape_cast %get3A_504 : vector<1x16xf32> to vector<16xf32>
        %mul3A_506 = arith.mulf %get3A_505, %add3A_495 : vector<16xf32>
        %swap3A_507 = arith.index_cast %add3A_499 : i32 to index
        %swap3A_508 = tpu.vector_load %arg9[%swap3A_507] {strides = array<i32>} : memref<7616xf32, #tpu.memory_space<vmem>>, vector<16xf32>,
        %swap3A_509 = vector.shape_cast %swap3A_508 : vector<16xf32> to vector<16xf32>
        %swap3A_510 = vector.shape_cast %mul3A_506 : vector<16xf32> to vector<16xf32>
        tpu.vector_store %arg9[%swap3A_507], %swap3A_510 {strides = array<i32>} : memref<7616xf32, #tpu.memory_space<vmem>>, vector<16xf32>,
        %scan3A_511 = arith.constant 0 : i32
        scf.yield %scan3A_511 : i32
      }
      %scan3A_228 = arith.constant 34 : i32
      %scan3A_229 = arith.constant 0 : i32
      %scan3A_230 = arith.constant 0 : i32
      %scan3A_231 = arith.constant 32 : i32
      %scan3A_232 = arith.addi %scan3A_230, %scan3A_231 : i32
      %scan3A_233 = arith.constant 1 : i32
      %scan3A_234 = scf.for %scan3A_247 = %scan3A_230 to %scan3A_232 step %scan3A_233 iter_args(%scan3A_248 = %scan3A_229) -> (i32)  : i32 {
        %mul3A_249 = arith.constant 224 : i32
        %mul3A_250 = arith.muli %scan3A_247, %mul3A_249 : i32
        %add3A_251 = arith.constant 0 : i32
        %add3A_252 = arith.addi %mul3A_250, %add3A_251 : i32
        %get3A_253 = arith.index_cast %add3A_252 : i32 to index
        %get3A_254 = tpu.vector_load %arg9[%get3A_253] {strides = array<i32>} : memref<7616xf32, #tpu.memory_space<vmem>>, vector<16xf32>,
        %get3A_255 = vector.shape_cast %get3A_254 : vector<16xf32> to vector<16xf32>
        %add3A_256 = arith.constant 224 : i32
        %add3A_257 = arith.addi %add3A_252, %add3A_256 : i32
        %get3A_258 = arith.index_cast %add3A_257 : i32 to index
        %get3A_259 = tpu.vector_load %arg9[%get3A_258] {strides = array<i32>} : memref<7616xf32, #tpu.memory_space<vmem>>, vector<16xf32>,
        %get3A_260 = vector.shape_cast %get3A_259 : vector<16xf32> to vector<16xf32>
        %add3A_261 = arith.addf %get3A_255, %get3A_260 : vector<16xf32>
        %add3A_262 = arith.constant 448 : i32
        %add3A_263 = arith.addi %add3A_252, %add3A_262 : i32
        %get3A_264 = arith.index_cast %add3A_263 : i32 to index
        %get3A_265 = tpu.vector_load %arg9[%get3A_264] {strides = array<i32>} : memref<7616xf32, #tpu.memory_space<vmem>>, vector<16xf32>,
        %get3A_266 = vector.shape_cast %get3A_265 : vector<16xf32> to vector<16xf32>
        %add3A_267 = arith.addf %add3A_261, %get3A_266 : vector<16xf32>
        %add3A_268 = arith.constant 16 : i32
        %add3A_269 = arith.addi %add3A_268, %add3A_252 : i32
        %swap3A_270 = arith.index_cast %add3A_269 : i32 to index
        %swap3A_271 = tpu.vector_load %arg10[%swap3A_270] {strides = array<i32>} : memref<7200xf32, #tpu.memory_space<vmem>>, vector<16xf32>,
        %swap3A_272 = vector.shape_cast %swap3A_271 : vector<16xf32> to vector<16xf32>
        %swap3A_273 = vector.shape_cast %add3A_267 : vector<16xf32> to vector<16xf32>
        tpu.vector_store %arg10[%swap3A_270], %swap3A_273 {strides = array<i32>} : memref<7200xf32, #tpu.memory_space<vmem>>, vector<16xf32>,
        %mul3A_274 = arith.constant 224 : i32
        %mul3A_275 = arith.muli %scan3A_247, %mul3A_274 : i32
        %add3A_276 = arith.constant 16 : i32
        %add3A_277 = arith.addi %mul3A_275, %add3A_276 : i32
        %get3A_278 = arith.index_cast %add3A_277 : i32 to index
        %get3A_279 = tpu.vector_load %arg9[%get3A_278] {strides = array<i32>} : memref<7616xf32, #tpu.memory_space<vmem>>, vector<16xf32>,
        %get3A_280 = vector.shape_cast %get3A_279 : vector<16xf32> to vector<16xf32>
        %add3A_281 = arith.constant 224 : i32
        %add3A_282 = arith.addi %add3A_277, %add3A_281 : i32
        %get3A_283 = arith.index_cast %add3A_282 : i32 to index
        %get3A_284 = tpu.vector_load %arg9[%get3A_283] {strides = array<i32>} : memref<7616xf32, #tpu.memory_space<vmem>>, vector<16xf32>,
        %get3A_285 = vector.shape_cast %get3A_284 : vector<16xf32> to vector<16xf32>
        %add3A_286 = arith.addf %get3A_280, %get3A_285 : vector<16xf32>
        %add3A_287 = arith.constant 448 : i32
        %add3A_288 = arith.addi %add3A_277, %add3A_287 : i32
        %get3A_289 = arith.index_cast %add3A_288 : i32 to index
        %get3A_290 = tpu.vector_load %arg9[%get3A_289] {strides = array<i32>} : memref<7616xf32, #tpu.memory_space<vmem>>, vector<16xf32>,
        %get3A_291 = vector.shape_cast %get3A_290 : vector<16xf32> to vector<16xf32>
        %add3A_292 = arith.addf %add3A_286, %get3A_291 : vector<16xf32>
        %add3A_293 = arith.constant 16 : i32
        %add3A_294 = arith.addi %add3A_293, %add3A_277 : i32
        %swap3A_295 = arith.index_cast %add3A_294 : i32 to index
        %swap3A_296 = tpu.vector_load %arg10[%swap3A_295] {strides = array<i32>} : memref<7200xf32, #tpu.memory_space<vmem>>, vector<16xf32>,
        %swap3A_297 = vector.shape_cast %swap3A_296 : vector<16xf32> to vector<16xf32>
        %swap3A_298 = vector.shape_cast %add3A_292 : vector<16xf32> to vector<16xf32>
        tpu.vector_store %arg10[%swap3A_295], %swap3A_298 {strides = array<i32>} : memref<7200xf32, #tpu.memory_space<vmem>>, vector<16xf32>,
        %mul3A_299 = arith.constant 224 : i32
        %mul3A_300 = arith.muli %scan3A_247, %mul3A_299 : i32
        %add3A_301 = arith.constant 32 : i32
        %add3A_302 = arith.addi %mul3A_300, %add3A_301 : i32
        %get3A_303 = arith.index_cast %add3A_302 : i32 to index
        %get3A_304 = tpu.vector_load %arg9[%get3A_303] {strides = array<i32>} : memref<7616xf32, #tpu.memory_space<vmem>>, vector<16xf32>,
        %get3A_305 = vector.shape_cast %get3A_304 : vector<16xf32> to vector<16xf32>
        %add3A_306 = arith.constant 224 : i32
        %add3A_307 = arith.addi %add3A_302, %add3A_306 : i32
        %get3A_308 = arith.index_cast %add3A_307 : i32 to index
        %get3A_309 = tpu.vector_load %arg9[%get3A_308] {strides = array<i32>} : memref<7616xf32, #tpu.memory_space<vmem>>, vector<16xf32>,
        %get3A_310 = vector.shape_cast %get3A_309 : vector<16xf32> to vector<16xf32>
        %add3A_311 = arith.addf %get3A_305, %get3A_310 : vector<16xf32>
        %add3A_312 = arith.constant 448 : i32
        %add3A_313 = arith.addi %add3A_302, %add3A_312 : i32
        %get3A_314 = arith.index_cast %add3A_313 : i32 to index
        %get3A_315 = tpu.vector_load %arg9[%get3A_314] {strides = array<i32>} : memref<7616xf32, #tpu.memory_space<vmem>>, vector<16xf32>,
        %get3A_316 = vector.shape_cast %get3A_315 : vector<16xf32> to vector<16xf32>
        %add3A_317 = arith.addf %add3A_311, %get3A_316 : vector<16xf32>
        %add3A_318 = arith.constant 16 : i32
        %add3A_319 = arith.addi %add3A_318, %add3A_302 : i32
        %swap3A_320 = arith.index_cast %add3A_319 : i32 to index
        %swap3A_321 = tpu.vector_load %arg10[%swap3A_320] {strides = array<i32>} : memref<7200xf32, #tpu.memory_space<vmem>>, vector<16xf32>,
        %swap3A_322 = vector.shape_cast %swap3A_321 : vector<16xf32> to vector<16xf32>
        %swap3A_323 = vector.shape_cast %add3A_317 : vector<16xf32> to vector<16xf32>
        tpu.vector_store %arg10[%swap3A_320], %swap3A_323 {strides = array<i32>} : memref<7200xf32, #tpu.memory_space<vmem>>, vector<16xf32>,
        %mul3A_324 = arith.constant 224 : i32
        %mul3A_325 = arith.muli %scan3A_247, %mul3A_324 : i32
        %add3A_326 = arith.constant 48 : i32
        %add3A_327 = arith.addi %mul3A_325, %add3A_326 : i32
        %get3A_328 = arith.index_cast %add3A_327 : i32 to index
        %get3A_329 = tpu.vector_load %arg9[%get3A_328] {strides = array<i32>} : memref<7616xf32, #tpu.memory_space<vmem>>, vector<16xf32>,
        %get3A_330 = vector.shape_cast %get3A_329 : vector<16xf32> to vector<16xf32>
        %add3A_331 = arith.constant 224 : i32
        %add3A_332 = arith.addi %add3A_327, %add3A_331 : i32
        %get3A_333 = arith.index_cast %add3A_332 : i32 to index
        %get3A_334 = tpu.vector_load %arg9[%get3A_333] {strides = array<i32>} : memref<7616xf32, #tpu.memory_space<vmem>>, vector<16xf32>,
        %get3A_335 = vector.shape_cast %get3A_334 : vector<16xf32> to vector<16xf32>
        %add3A_336 = arith.addf %get3A_330, %get3A_335 : vector<16xf32>
        %add3A_337 = arith.constant 448 : i32
        %add3A_338 = arith.addi %add3A_327, %add3A_337 : i32
        %get3A_339 = arith.index_cast %add3A_338 : i32 to index
        %get3A_340 = tpu.vector_load %arg9[%get3A_339] {strides = array<i32>} : memref<7616xf32, #tpu.memory_space<vmem>>, vector<16xf32>,
        %get3A_341 = vector.shape_cast %get3A_340 : vector<16xf32> to vector<16xf32>
        %add3A_342 = arith.addf %add3A_336, %get3A_341 : vector<16xf32>
        %add3A_343 = arith.constant 16 : i32
        %add3A_344 = arith.addi %add3A_343, %add3A_327 : i32
        %swap3A_345 = arith.index_cast %add3A_344 : i32 to index
        %swap3A_346 = tpu.vector_load %arg10[%swap3A_345] {strides = array<i32>} : memref<7200xf32, #tpu.memory_space<vmem>>, vector<16xf32>,
        %swap3A_347 = vector.shape_cast %swap3A_346 : vector<16xf32> to vector<16xf32>
        %swap3A_348 = vector.shape_cast %add3A_342 : vector<16xf32> to vector<16xf32>
        tpu.vector_store %arg10[%swap3A_345], %swap3A_348 {strides = array<i32>} : memref<7200xf32, #tpu.memory_space<vmem>>, vector<16xf32>,
        %mul3A_349 = arith.constant 224 : i32
        %mul3A_350 = arith.muli %scan3A_247, %mul3A_349 : i32
        %add3A_351 = arith.constant 64 : i32
        %add3A_352 = arith.addi %mul3A_350, %add3A_351 : i32
        %get3A_353 = arith.index_cast %add3A_352 : i32 to index
        %get3A_354 = tpu.vector_load %arg9[%get3A_353] {strides = array<i32>} : memref<7616xf32, #tpu.memory_space<vmem>>, vector<16xf32>,
        %get3A_355 = vector.shape_cast %get3A_354 : vector<16xf32> to vector<16xf32>
        %add3A_356 = arith.constant 224 : i32
        %add3A_357 = arith.addi %add3A_352, %add3A_356 : i32
        %get3A_358 = arith.index_cast %add3A_357 : i32 to index
        %get3A_359 = tpu.vector_load %arg9[%get3A_358] {strides = array<i32>} : memref<7616xf32, #tpu.memory_space<vmem>>, vector<16xf32>,
        %get3A_360 = vector.shape_cast %get3A_359 : vector<16xf32> to vector<16xf32>
        %add3A_361 = arith.addf %get3A_355, %get3A_360 : vector<16xf32>
        %add3A_362 = arith.constant 448 : i32
        %add3A_363 = arith.addi %add3A_352, %add3A_362 : i32
        %get3A_364 = arith.index_cast %add3A_363 : i32 to index
        %get3A_365 = tpu.vector_load %arg9[%get3A_364] {strides = array<i32>} : memref<7616xf32, #tpu.memory_space<vmem>>, vector<16xf32>,
        %get3A_366 = vector.shape_cast %get3A_365 : vector<16xf32> to vector<16xf32>
        %add3A_367 = arith.addf %add3A_361, %get3A_366 : vector<16xf32>
        %add3A_368 = arith.constant 16 : i32
        %add3A_369 = arith.addi %add3A_368, %add3A_352 : i32
        %swap3A_370 = arith.index_cast %add3A_369 : i32 to index
        %swap3A_371 = tpu.vector_load %arg10[%swap3A_370] {strides = array<i32>} : memref<7200xf32, #tpu.memory_space<vmem>>, vector<16xf32>,
        %swap3A_372 = vector.shape_cast %swap3A_371 : vector<16xf32> to vector<16xf32>
        %swap3A_373 = vector.shape_cast %add3A_367 : vector<16xf32> to vector<16xf32>
        tpu.vector_store %arg10[%swap3A_370], %swap3A_373 {strides = array<i32>} : memref<7200xf32, #tpu.memory_space<vmem>>, vector<16xf32>,
        %mul3A_374 = arith.constant 224 : i32
        %mul3A_375 = arith.muli %scan3A_247, %mul3A_374 : i32
        %add3A_376 = arith.constant 80 : i32
        %add3A_377 = arith.addi %mul3A_375, %add3A_376 : i32
        %get3A_378 = arith.index_cast %add3A_377 : i32 to index
        %get3A_379 = tpu.vector_load %arg9[%get3A_378] {strides = array<i32>} : memref<7616xf32, #tpu.memory_space<vmem>>, vector<16xf32>,
        %get3A_380 = vector.shape_cast %get3A_379 : vector<16xf32> to vector<16xf32>
        %add3A_381 = arith.constant 224 : i32
        %add3A_382 = arith.addi %add3A_377, %add3A_381 : i32
        %get3A_383 = arith.index_cast %add3A_382 : i32 to index
        %get3A_384 = tpu.vector_load %arg9[%get3A_383] {strides = array<i32>} : memref<7616xf32, #tpu.memory_space<vmem>>, vector<16xf32>,
        %get3A_385 = vector.shape_cast %get3A_384 : vector<16xf32> to vector<16xf32>
        %add3A_386 = arith.addf %get3A_380, %get3A_385 : vector<16xf32>
        %add3A_387 = arith.constant 448 : i32
        %add3A_388 = arith.addi %add3A_377, %add3A_387 : i32
        %get3A_389 = arith.index_cast %add3A_388 : i32 to index
        %get3A_390 = tpu.vector_load %arg9[%get3A_389] {strides = array<i32>} : memref<7616xf32, #tpu.memory_space<vmem>>, vector<16xf32>,
        %get3A_391 = vector.shape_cast %get3A_390 : vector<16xf32> to vector<16xf32>
        %add3A_392 = arith.addf %add3A_386, %get3A_391 : vector<16xf32>
        %add3A_393 = arith.constant 16 : i32
        %add3A_394 = arith.addi %add3A_393, %add3A_377 : i32
        %swap3A_395 = arith.index_cast %add3A_394 : i32 to index
        %swap3A_396 = tpu.vector_load %arg10[%swap3A_395] {strides = array<i32>} : memref<7200xf32, #tpu.memory_space<vmem>>, vector<16xf32>,
        %swap3A_397 = vector.shape_cast %swap3A_396 : vector<16xf32> to vector<16xf32>
        %swap3A_398 = vector.shape_cast %add3A_392 : vector<16xf32> to vector<16xf32>
        tpu.vector_store %arg10[%swap3A_395], %swap3A_398 {strides = array<i32>} : memref<7200xf32, #tpu.memory_space<vmem>>, vector<16xf32>,
        %mul3A_399 = arith.constant 224 : i32
        %mul3A_400 = arith.muli %scan3A_247, %mul3A_399 : i32
        %add3A_401 = arith.constant 96 : i32
        %add3A_402 = arith.addi %mul3A_400, %add3A_401 : i32
        %get3A_403 = arith.index_cast %add3A_402 : i32 to index
        %get3A_404 = tpu.vector_load %arg9[%get3A_403] {strides = array<i32>} : memref<7616xf32, #tpu.memory_space<vmem>>, vector<16xf32>,
        %get3A_405 = vector.shape_cast %get3A_404 : vector<16xf32> to vector<16xf32>
        %add3A_406 = arith.constant 224 : i32
        %add3A_407 = arith.addi %add3A_402, %add3A_406 : i32
        %get3A_408 = arith.index_cast %add3A_407 : i32 to index
        %get3A_409 = tpu.vector_load %arg9[%get3A_408] {strides = array<i32>} : memref<7616xf32, #tpu.memory_space<vmem>>, vector<16xf32>,
        %get3A_410 = vector.shape_cast %get3A_409 : vector<16xf32> to vector<16xf32>
        %add3A_411 = arith.addf %get3A_405, %get3A_410 : vector<16xf32>
        %add3A_412 = arith.constant 448 : i32
        %add3A_413 = arith.addi %add3A_402, %add3A_412 : i32
        %get3A_414 = arith.index_cast %add3A_413 : i32 to index
        %get3A_415 = tpu.vector_load %arg9[%get3A_414] {strides = array<i32>} : memref<7616xf32, #tpu.memory_space<vmem>>, vector<16xf32>,
        %get3A_416 = vector.shape_cast %get3A_415 : vector<16xf32> to vector<16xf32>
        %add3A_417 = arith.addf %add3A_411, %get3A_416 : vector<16xf32>
        %add3A_418 = arith.constant 16 : i32
        %add3A_419 = arith.addi %add3A_418, %add3A_402 : i32
        %swap3A_420 = arith.index_cast %add3A_419 : i32 to index
        %swap3A_421 = tpu.vector_load %arg10[%swap3A_420] {strides = array<i32>} : memref<7200xf32, #tpu.memory_space<vmem>>, vector<16xf32>,
        %swap3A_422 = vector.shape_cast %swap3A_421 : vector<16xf32> to vector<16xf32>
        %swap3A_423 = vector.shape_cast %add3A_417 : vector<16xf32> to vector<16xf32>
        tpu.vector_store %arg10[%swap3A_420], %swap3A_423 {strides = array<i32>} : memref<7200xf32, #tpu.memory_space<vmem>>, vector<16xf32>,
        %mul3A_424 = arith.constant 224 : i32
        %mul3A_425 = arith.muli %scan3A_247, %mul3A_424 : i32
        %add3A_426 = arith.constant 112 : i32
        %add3A_427 = arith.addi %mul3A_425, %add3A_426 : i32
        %get3A_428 = arith.index_cast %add3A_427 : i32 to index
        %get3A_429 = tpu.vector_load %arg9[%get3A_428] {strides = array<i32>} : memref<7616xf32, #tpu.memory_space<vmem>>, vector<16xf32>,
        %get3A_430 = vector.shape_cast %get3A_429 : vector<16xf32> to vector<16xf32>
        %add3A_431 = arith.constant 224 : i32
        %add3A_432 = arith.addi %add3A_427, %add3A_431 : i32
        %get3A_433 = arith.index_cast %add3A_432 : i32 to index
        %get3A_434 = tpu.vector_load %arg9[%get3A_433] {strides = array<i32>} : memref<7616xf32, #tpu.memory_space<vmem>>, vector<16xf32>,
        %get3A_435 = vector.shape_cast %get3A_434 : vector<16xf32> to vector<16xf32>
        %add3A_436 = arith.addf %get3A_430, %get3A_435 : vector<16xf32>
        %add3A_437 = arith.constant 448 : i32
        %add3A_438 = arith.addi %add3A_427, %add3A_437 : i32
        %get3A_439 = arith.index_cast %add3A_438 : i32 to index
        %get3A_440 = tpu.vector_load %arg9[%get3A_439] {strides = array<i32>} : memref<7616xf32, #tpu.memory_space<vmem>>, vector<16xf32>,
        %get3A_441 = vector.shape_cast %get3A_440 : vector<16xf32> to vector<16xf32>
        %add3A_442 = arith.addf %add3A_436, %get3A_441 : vector<16xf32>
        %add3A_443 = arith.constant 16 : i32
        %add3A_444 = arith.addi %add3A_443, %add3A_427 : i32
        %swap3A_445 = arith.index_cast %add3A_444 : i32 to index
        %swap3A_446 = tpu.vector_load %arg10[%swap3A_445] {strides = array<i32>} : memref<7200xf32, #tpu.memory_space<vmem>>, vector<16xf32>,
        %swap3A_447 = vector.shape_cast %swap3A_446 : vector<16xf32> to vector<16xf32>
        %swap3A_448 = vector.shape_cast %add3A_442 : vector<16xf32> to vector<16xf32>
        tpu.vector_store %arg10[%swap3A_445], %swap3A_448 {strides = array<i32>} : memref<7200xf32, #tpu.memory_space<vmem>>, vector<16xf32>,
        %mul3A_449 = arith.constant 224 : i32
        %mul3A_450 = arith.muli %scan3A_247, %mul3A_449 : i32
        %add3A_451 = arith.constant 128 : i32
        %add3A_452 = arith.addi %mul3A_450, %add3A_451 : i32
        %get3A_453 = arith.index_cast %add3A_452 : i32 to index
        %get3A_454 = tpu.vector_load %arg9[%get3A_453] {strides = array<i32>} : memref<7616xf32, #tpu.memory_space<vmem>>, vector<16xf32>,
        %get3A_455 = vector.shape_cast %get3A_454 : vector<16xf32> to vector<16xf32>
        %add3A_456 = arith.constant 224 : i32
        %add3A_457 = arith.addi %add3A_452, %add3A_456 : i32
        %get3A_458 = arith.index_cast %add3A_457 : i32 to index
        %get3A_459 = tpu.vector_load %arg9[%get3A_458] {strides = array<i32>} : memref<7616xf32, #tpu.memory_space<vmem>>, vector<16xf32>,
        %get3A_460 = vector.shape_cast %get3A_459 : vector<16xf32> to vector<16xf32>
        %add3A_461 = arith.addf %get3A_455, %get3A_460 : vector<16xf32>
        %add3A_462 = arith.constant 448 : i32
        %add3A_463 = arith.addi %add3A_452, %add3A_462 : i32
        %get3A_464 = arith.index_cast %add3A_463 : i32 to index
        %get3A_465 = tpu.vector_load %arg9[%get3A_464] {strides = array<i32>} : memref<7616xf32, #tpu.memory_space<vmem>>, vector<16xf32>,
        %get3A_466 = vector.shape_cast %get3A_465 : vector<16xf32> to vector<16xf32>
        %add3A_467 = arith.addf %add3A_461, %get3A_466 : vector<16xf32>
        %add3A_468 = arith.constant 16 : i32
        %add3A_469 = arith.addi %add3A_468, %add3A_452 : i32
        %swap3A_470 = arith.index_cast %add3A_469 : i32 to index
        %swap3A_471 = tpu.vector_load %arg10[%swap3A_470] {strides = array<i32>} : memref<7200xf32, #tpu.memory_space<vmem>>, vector<16xf32>,
        %swap3A_472 = vector.shape_cast %swap3A_471 : vector<16xf32> to vector<16xf32>
        %swap3A_473 = vector.shape_cast %add3A_467 : vector<16xf32> to vector<16xf32>
        tpu.vector_store %arg10[%swap3A_470], %swap3A_473 {strides = array<i32>} : memref<7200xf32, #tpu.memory_space<vmem>>, vector<16xf32>,
        %mul3A_474 = arith.constant 224 : i32
        %mul3A_475 = arith.muli %scan3A_247, %mul3A_474 : i32
        %add3A_476 = arith.constant 144 : i32
        %add3A_477 = arith.addi %mul3A_475, %add3A_476 : i32
        %get3A_478 = arith.index_cast %add3A_477 : i32 to index
        %get3A_479 = tpu.vector_load %arg9[%get3A_478] {strides = array<i32>} : memref<7616xf32, #tpu.memory_space<vmem>>, vector<16xf32>,
        %get3A_480 = vector.shape_cast %get3A_479 : vector<16xf32> to vector<16xf32>
        %add3A_481 = arith.constant 224 : i32
        %add3A_482 = arith.addi %add3A_477, %add3A_481 : i32
        %get3A_483 = arith.index_cast %add3A_482 : i32 to index
        %get3A_484 = tpu.vector_load %arg9[%get3A_483] {strides = array<i32>} : memref<7616xf32, #tpu.memory_space<vmem>>, vector<16xf32>,
        %get3A_485 = vector.shape_cast %get3A_484 : vector<16xf32> to vector<16xf32>
        %add3A_486 = arith.addf %get3A_480, %get3A_485 : vector<16xf32>
        %add3A_487 = arith.constant 448 : i32
        %add3A_488 = arith.addi %add3A_477, %add3A_487 : i32
        %get3A_489 = arith.index_cast %add3A_488 : i32 to index
        %get3A_490 = tpu.vector_load %arg9[%get3A_489] {strides = array<i32>} : memref<7616xf32, #tpu.memory_space<vmem>>, vector<16xf32>,
        %get3A_491 = vector.shape_cast %get3A_490 : vector<16xf32> to vector<16xf32>
        %add3A_492 = arith.addf %add3A_486, %get3A_491 : vector<16xf32>
        %add3A_493 = arith.constant 16 : i32
        %add3A_494 = arith.addi %add3A_493, %add3A_477 : i32
        %swap3A_495 = arith.index_cast %add3A_494 : i32 to index
        %swap3A_496 = tpu.vector_load %arg10[%swap3A_495] {strides = array<i32>} : memref<7200xf32, #tpu.memory_space<vmem>>, vector<16xf32>,
        %swap3A_497 = vector.shape_cast %swap3A_496 : vector<16xf32> to vector<16xf32>
        %swap3A_498 = vector.shape_cast %add3A_492 : vector<16xf32> to vector<16xf32>
        tpu.vector_store %arg10[%swap3A_495], %swap3A_498 {strides = array<i32>} : memref<7200xf32, #tpu.memory_space<vmem>>, vector<16xf32>,
        %mul3A_499 = arith.constant 224 : i32
        %mul3A_500 = arith.muli %scan3A_247, %mul3A_499 : i32
        %add3A_501 = arith.constant 160 : i32
        %add3A_502 = arith.addi %mul3A_500, %add3A_501 : i32
        %get3A_503 = arith.index_cast %add3A_502 : i32 to index
        %get3A_504 = tpu.vector_load %arg9[%get3A_503] {strides = array<i32>} : memref<7616xf32, #tpu.memory_space<vmem>>, vector<16xf32>,
        %get3A_505 = vector.shape_cast %get3A_504 : vector<16xf32> to vector<16xf32>
        %add3A_506 = arith.constant 224 : i32
        %add3A_507 = arith.addi %add3A_502, %add3A_506 : i32
        %get3A_508 = arith.index_cast %add3A_507 : i32 to index
        %get3A_509 = tpu.vector_load %arg9[%get3A_508] {strides = array<i32>} : memref<7616xf32, #tpu.memory_space<vmem>>, vector<16xf32>,
        %get3A_510 = vector.shape_cast %get3A_509 : vector<16xf32> to vector<16xf32>
        %add3A_511 = arith.addf %get3A_505, %get3A_510 : vector<16xf32>
        %add3A_512 = arith.constant 448 : i32
        %add3A_513 = arith.addi %add3A_502, %add3A_512 : i32
        %get3A_514 = arith.index_cast %add3A_513 : i32 to index
        %get3A_515 = tpu.vector_load %arg9[%get3A_514] {strides = array<i32>} : memref<7616xf32, #tpu.memory_space<vmem>>, vector<16xf32>,
        %get3A_516 = vector.shape_cast %get3A_515 : vector<16xf32> to vector<16xf32>
        %add3A_517 = arith.addf %add3A_511, %get3A_516 : vector<16xf32>
        %add3A_518 = arith.constant 16 : i32
        %add3A_519 = arith.addi %add3A_518, %add3A_502 : i32
        %swap3A_520 = arith.index_cast %add3A_519 : i32 to index
        %swap3A_521 = tpu.vector_load %arg10[%swap3A_520] {strides = array<i32>} : memref<7200xf32, #tpu.memory_space<vmem>>, vector<16xf32>,
        %swap3A_522 = vector.shape_cast %swap3A_521 : vector<16xf32> to vector<16xf32>
        %swap3A_523 = vector.shape_cast %add3A_517 : vector<16xf32> to vector<16xf32>
        tpu.vector_store %arg10[%swap3A_520], %swap3A_523 {strides = array<i32>} : memref<7200xf32, #tpu.memory_space<vmem>>, vector<16xf32>,
        %mul3A_524 = arith.constant 224 : i32
        %mul3A_525 = arith.muli %scan3A_247, %mul3A_524 : i32
        %add3A_526 = arith.constant 176 : i32
        %add3A_527 = arith.addi %mul3A_525, %add3A_526 : i32
        %get3A_528 = arith.index_cast %add3A_527 : i32 to index
        %get3A_529 = tpu.vector_load %arg9[%get3A_528] {strides = array<i32>} : memref<7616xf32, #tpu.memory_space<vmem>>, vector<16xf32>,
        %get3A_530 = vector.shape_cast %get3A_529 : vector<16xf32> to vector<16xf32>
        %add3A_531 = arith.constant 224 : i32
        %add3A_532 = arith.addi %add3A_527, %add3A_531 : i32
        %get3A_533 = arith.index_cast %add3A_532 : i32 to index
        %get3A_534 = tpu.vector_load %arg9[%get3A_533] {strides = array<i32>} : memref<7616xf32, #tpu.memory_space<vmem>>, vector<16xf32>,
        %get3A_535 = vector.shape_cast %get3A_534 : vector<16xf32> to vector<16xf32>
        %add3A_536 = arith.addf %get3A_530, %get3A_535 : vector<16xf32>
        %add3A_537 = arith.constant 448 : i32
        %add3A_538 = arith.addi %add3A_527, %add3A_537 : i32
        %get3A_539 = arith.index_cast %add3A_538 : i32 to index
        %get3A_540 = tpu.vector_load %arg9[%get3A_539] {strides = array<i32>} : memref<7616xf32, #tpu.memory_space<vmem>>, vector<16xf32>,
        %get3A_541 = vector.shape_cast %get3A_540 : vector<16xf32> to vector<16xf32>
        %add3A_542 = arith.addf %add3A_536, %get3A_541 : vector<16xf32>
        %add3A_543 = arith.constant 16 : i32
        %add3A_544 = arith.addi %add3A_543, %add3A_527 : i32
        %swap3A_545 = arith.index_cast %add3A_544 : i32 to index
        %swap3A_546 = tpu.vector_load %arg10[%swap3A_545] {strides = array<i32>} : memref<7200xf32, #tpu.memory_space<vmem>>, vector<16xf32>,
        %swap3A_547 = vector.shape_cast %swap3A_546 : vector<16xf32> to vector<16xf32>
        %swap3A_548 = vector.shape_cast %add3A_542 : vector<16xf32> to vector<16xf32>
        tpu.vector_store %arg10[%swap3A_545], %swap3A_548 {strides = array<i32>} : memref<7200xf32, #tpu.memory_space<vmem>>, vector<16xf32>,
        %mul3A_549 = arith.constant 224 : i32
        %mul3A_550 = arith.muli %scan3A_247, %mul3A_549 : i32
        %add3A_551 = arith.constant 192 : i32
        %add3A_552 = arith.addi %mul3A_550, %add3A_551 : i32
        %get3A_553 = arith.index_cast %add3A_552 : i32 to index
        %get3A_554 = tpu.vector_load %arg9[%get3A_553] {strides = array<i32>} : memref<7616xf32, #tpu.memory_space<vmem>>, vector<16xf32>,
        %get3A_555 = vector.shape_cast %get3A_554 : vector<16xf32> to vector<16xf32>
        %add3A_556 = arith.constant 224 : i32
        %add3A_557 = arith.addi %add3A_552, %add3A_556 : i32
        %get3A_558 = arith.index_cast %add3A_557 : i32 to index
        %get3A_559 = tpu.vector_load %arg9[%get3A_558] {strides = array<i32>} : memref<7616xf32, #tpu.memory_space<vmem>>, vector<16xf32>,
        %get3A_560 = vector.shape_cast %get3A_559 : vector<16xf32> to vector<16xf32>
        %add3A_561 = arith.addf %get3A_555, %get3A_560 : vector<16xf32>
        %add3A_562 = arith.constant 448 : i32
        %add3A_563 = arith.addi %add3A_552, %add3A_562 : i32
        %get3A_564 = arith.index_cast %add3A_563 : i32 to index
        %get3A_565 = tpu.vector_load %arg9[%get3A_564] {strides = array<i32>} : memref<7616xf32, #tpu.memory_space<vmem>>, vector<16xf32>,
        %get3A_566 = vector.shape_cast %get3A_565 : vector<16xf32> to vector<16xf32>
        %add3A_567 = arith.addf %add3A_561, %get3A_566 : vector<16xf32>
        %add3A_568 = arith.constant 16 : i32
        %add3A_569 = arith.addi %add3A_568, %add3A_552 : i32
        %swap3A_570 = arith.index_cast %add3A_569 : i32 to index
        %swap3A_571 = tpu.vector_load %arg10[%swap3A_570] {strides = array<i32>} : memref<7200xf32, #tpu.memory_space<vmem>>, vector<16xf32>,
        %swap3A_572 = vector.shape_cast %swap3A_571 : vector<16xf32> to vector<16xf32>
        %swap3A_573 = vector.shape_cast %add3A_567 : vector<16xf32> to vector<16xf32>
        tpu.vector_store %arg10[%swap3A_570], %swap3A_573 {strides = array<i32>} : memref<7200xf32, #tpu.memory_space<vmem>>, vector<16xf32>,
        %mul3A_574 = arith.constant 224 : i32
        %mul3A_575 = arith.muli %scan3A_247, %mul3A_574 : i32
        %add3A_576 = arith.constant 208 : i32
        %add3A_577 = arith.addi %mul3A_575, %add3A_576 : i32
        %get3A_578 = arith.index_cast %add3A_577 : i32 to index
        %get3A_579 = tpu.vector_load %arg9[%get3A_578] {strides = array<i32>} : memref<7616xf32, #tpu.memory_space<vmem>>, vector<16xf32>,
        %get3A_580 = vector.shape_cast %get3A_579 : vector<16xf32> to vector<16xf32>
        %add3A_581 = arith.constant 224 : i32
        %add3A_582 = arith.addi %add3A_577, %add3A_581 : i32
        %get3A_583 = arith.index_cast %add3A_582 : i32 to index
        %get3A_584 = tpu.vector_load %arg9[%get3A_583] {strides = array<i32>} : memref<7616xf32, #tpu.memory_space<vmem>>, vector<16xf32>,
        %get3A_585 = vector.shape_cast %get3A_584 : vector<16xf32> to vector<16xf32>
        %add3A_586 = arith.addf %get3A_580, %get3A_585 : vector<16xf32>
        %add3A_587 = arith.constant 448 : i32
        %add3A_588 = arith.addi %add3A_577, %add3A_587 : i32
        %get3A_589 = arith.index_cast %add3A_588 : i32 to index
        %get3A_590 = tpu.vector_load %arg9[%get3A_589] {strides = array<i32>} : memref<7616xf32, #tpu.memory_space<vmem>>, vector<16xf32>,
        %get3A_591 = vector.shape_cast %get3A_590 : vector<16xf32> to vector<16xf32>
        %add3A_592 = arith.addf %add3A_586, %get3A_591 : vector<16xf32>
        %add3A_593 = arith.constant 16 : i32
        %add3A_594 = arith.addi %add3A_593, %add3A_577 : i32
        %swap3A_595 = arith.index_cast %add3A_594 : i32 to index
        %swap3A_596 = tpu.vector_load %arg10[%swap3A_595] {strides = array<i32>} : memref<7200xf32, #tpu.memory_space<vmem>>, vector<16xf32>,
        %swap3A_597 = vector.shape_cast %swap3A_596 : vector<16xf32> to vector<16xf32>
        %swap3A_598 = vector.shape_cast %add3A_592 : vector<16xf32> to vector<16xf32>
        tpu.vector_store %arg10[%swap3A_595], %swap3A_598 {strides = array<i32>} : memref<7200xf32, #tpu.memory_space<vmem>>, vector<16xf32>,
        %scan3A_599 = arith.constant 0 : i32
        scf.yield %scan3A_599 : i32
      }
      %scan3A_235 = arith.constant 32 : i32
      %get3A_236 = arith.constant 0 : index
      %get3A_237 = tpu.vector_load %arg13[%get3A_236] {strides = array<i32>} : memref<16xf32, #tpu.memory_space<vmem>>, vector<16xf32>,
      %get3A_238 = vector.shape_cast %get3A_237 : vector<16xf32> to vector<16xf32>
      %scan3A_239 = arith.constant 0 : i32
      %scan3A_240 = arith.constant 0 : i32
      %scan3A_241 = arith.constant 32 : i32
      %scan3A_242 = arith.addi %scan3A_240, %scan3A_241 : i32
      %scan3A_243 = arith.constant 1 : i32
      %scan3A_244 = scf.for %scan3A_247 = %scan3A_240 to %scan3A_242 step %scan3A_243 iter_args(%scan3A_248 = %scan3A_239) -> (i32)  : i32 {
        %add3A_249 = arith.addi %multiple_of3A, %scan3A_247 : i32
        %eq3A_250 = arith.constant 0 : i32
        %eq3A_251 = arith.cmpi eq, %add3A_249, %eq3A_250 : i32
        %eq3A_252 = arith.constant 223 : i32
        %eq3A_253 = arith.cmpi eq, %add3A_249, %eq3A_252 : i32
        %or3A = arith.ori %eq3A_251, %eq3A_253 : i1
        %jit3A_254 = arith.constant 1.000000e+00 : f32
        %jit3A_255 = arith.constant 0.000000e+00 : f32
        %select_n3A_256 = arith.select %or3A, %jit3A_254, %jit3A_255 : f32
        %mul3A_257 = arith.constant 224 : i32
        %mul3A_258 = arith.muli %scan3A_247, %mul3A_257 : i32
        %add3A_259 = arith.constant 0 : i32
        %add3A_260 = arith.addi %mul3A_258, %add3A_259 : i32
        %add3A_261 = arith.constant 16 : i32
        %add3A_262 = arith.addi %add3A_261, %add3A_260 : i32
        %get3A_263 = arith.index_cast %add3A_262 : i32 to index
        %get3A_264 = tpu.vector_load %arg10[%get3A_263] {strides = array<i32>} : memref<7200xf32, #tpu.memory_space<vmem>>, vector<16xf32>,
        %get3A_265 = vector.shape_cast %get3A_264 : vector<16xf32> to vector<16xf32>
        %sub3A_266 = arith.constant 1 : i32
        %sub3A_267 = arith.subi %add3A_262, %sub3A_266 : i32
        %get3A_268 = arith.index_cast %sub3A_267 : i32 to index
        %get3A_269 = tpu.vector_load %arg10[%get3A_268] {strides = array<i32>} : memref<7200xf32, #tpu.memory_space<vmem>>, vector<16xf32>,
        %get3A_270 = vector.shape_cast %get3A_269 : vector<16xf32> to vector<16xf32>
        %add3A_271 = arith.constant 1 : i32
        %add3A_272 = arith.addi %add3A_262, %add3A_271 : i32
        %get3A_273 = arith.index_cast %add3A_272 : i32 to index
        %get3A_274 = tpu.vector_load %arg10[%get3A_273] {strides = array<i32>} : memref<7200xf32, #tpu.memory_space<vmem>>, vector<16xf32>,
        %get3A_275 = vector.shape_cast %get3A_274 : vector<16xf32> to vector<16xf32>
        %jit3A_276 = arith.constant 0.000000e+00 : f32
        %broadcast_in_dim3A_277 = vector.broadcast %jit3A_276 : f32 to vector<16xf32>
        %select_n3A_278 = arith.select %eq3A_122, %broadcast_in_dim3A_277, %get3A_270 : vector<16xi1>, vector<16xf32>
        %add3A_279 = arith.addf %select_n3A_278, %get3A_265 : vector<16xf32>
        %add3A_280 = arith.addf %add3A_279, %get3A_275 : vector<16xf32>
        %add3A_281 = arith.constant 224 : i32
        %add3A_282 = arith.addi %add3A_281, %add3A_260 : i32
        %get3A_283 = arith.index_cast %add3A_282 : i32 to index
        %get3A_284 = tpu.vector_load %arg9[%get3A_283] {strides = array<i32>} : memref<7616xf32, #tpu.memory_space<vmem>>, vector<16xf32>,
        %get3A_285 = vector.shape_cast %get3A_284 : vector<16xf32> to vector<16xf32>
        %mul3A_286 = vector.broadcast %select_n3A_256 : f32 to vector<16xf32>
        %mul3A_287 = arith.mulf %mul3A_286, %sub3A_170 : vector<16xf32>
        %add3A_288 = arith.addf %get3A_127, %mul3A_287 : vector<16xf32>
        %add3A_289 = arith.addf %add3A_280, %get3A_285 : vector<16xf32>
        %mul3A_290 = arith.mulf %add3A_288, %add3A_289 : vector<16xf32>
        %add3A_291 = arith.addf %mul3A_290, %get3A_238 : vector<16xf32>
        %swap3A_292 = arith.index_cast %scan3A_247 : i32 to index
        %swap3A_293 = arith.constant 0 : index
        %swap3A_294 = tpu.vector_load %arg11[%swap3A_292, %swap3A_293] {strides = array<i32>} : memref<32x224xf32, #tpu.memory_space<vmem>>, vector<1x16xf32>,
        %swap3A_295 = vector.shape_cast %swap3A_294 : vector<1x16xf32> to vector<16xf32>
        %swap3A_296 = vector.shape_cast %add3A_291 : vector<16xf32> to vector<1x16xf32>
        tpu.vector_store %arg11[%swap3A_292, %swap3A_293], %swap3A_296 {strides = array<i32>} : memref<32x224xf32, #tpu.memory_space<vmem>>, vector<1x16xf32>,
        %mul3A_297 = arith.constant 224 : i32
        %mul3A_298 = arith.muli %scan3A_247, %mul3A_297 : i32
        %add3A_299 = arith.constant 16 : i32
        %add3A_300 = arith.addi %mul3A_298, %add3A_299 : i32
        %add3A_301 = arith.constant 16 : i32
        %add3A_302 = arith.addi %add3A_301, %add3A_300 : i32
        %get3A_303 = arith.index_cast %add3A_302 : i32 to index
        %get3A_304 = tpu.vector_load %arg10[%get3A_303] {strides = array<i32>} : memref<7200xf32, #tpu.memory_space<vmem>>, vector<16xf32>,
        %get3A_305 = vector.shape_cast %get3A_304 : vector<16xf32> to vector<16xf32>
        %sub3A_306 = arith.constant 1 : i32
        %sub3A_307 = arith.subi %add3A_302, %sub3A_306 : i32
        %get3A_308 = arith.index_cast %sub3A_307 : i32 to index
        %get3A_309 = tpu.vector_load %arg10[%get3A_308] {strides = array<i32>} : memref<7200xf32, #tpu.memory_space<vmem>>, vector<16xf32>,
        %get3A_310 = vector.shape_cast %get3A_309 : vector<16xf32> to vector<16xf32>
        %add3A_311 = arith.constant 1 : i32
        %add3A_312 = arith.addi %add3A_302, %add3A_311 : i32
        %get3A_313 = arith.index_cast %add3A_312 : i32 to index
        %get3A_314 = tpu.vector_load %arg10[%get3A_313] {strides = array<i32>} : memref<7200xf32, #tpu.memory_space<vmem>>, vector<16xf32>,
        %get3A_315 = vector.shape_cast %get3A_314 : vector<16xf32> to vector<16xf32>
        %add3A_316 = arith.addf %get3A_310, %get3A_305 : vector<16xf32>
        %add3A_317 = arith.addf %add3A_316, %get3A_315 : vector<16xf32>
        %add3A_318 = arith.constant 224 : i32
        %add3A_319 = arith.addi %add3A_318, %add3A_300 : i32
        %get3A_320 = arith.index_cast %add3A_319 : i32 to index
        %get3A_321 = tpu.vector_load %arg9[%get3A_320] {strides = array<i32>} : memref<7616xf32, #tpu.memory_space<vmem>>, vector<16xf32>,
        %get3A_322 = vector.shape_cast %get3A_321 : vector<16xf32> to vector<16xf32>
        %mul3A_323 = vector.broadcast %select_n3A_256 : f32 to vector<16xf32>
        %mul3A_324 = arith.mulf %mul3A_323, %sub3A_174 : vector<16xf32>
        %add3A_325 = arith.addf %get3A_130, %mul3A_324 : vector<16xf32>
        %add3A_326 = arith.addf %add3A_317, %get3A_322 : vector<16xf32>
        %mul3A_327 = arith.mulf %add3A_325, %add3A_326 : vector<16xf32>
        %add3A_328 = arith.addf %mul3A_327, %get3A_238 : vector<16xf32>
        %swap3A_329 = arith.index_cast %scan3A_247 : i32 to index
        %swap3A_330 = arith.constant 16 : index
        %swap3A_331 = tpu.vector_load %arg11[%swap3A_329, %swap3A_330] {strides = array<i32>} : memref<32x224xf32, #tpu.memory_space<vmem>>, vector<1x16xf32>,
        %swap3A_332 = vector.shape_cast %swap3A_331 : vector<1x16xf32> to vector<16xf32>
        %swap3A_333 = vector.shape_cast %add3A_328 : vector<16xf32> to vector<1x16xf32>
        tpu.vector_store %arg11[%swap3A_329, %swap3A_330], %swap3A_333 {strides = array<i32>} : memref<32x224xf32, #tpu.memory_space<vmem>>, vector<1x16xf32>,
        %mul3A_334 = arith.constant 224 : i32
        %mul3A_335 = arith.muli %scan3A_247, %mul3A_334 : i32
        %add3A_336 = arith.constant 32 : i32
        %add3A_337 = arith.addi %mul3A_335, %add3A_336 : i32
        %add3A_338 = arith.constant 16 : i32
        %add3A_339 = arith.addi %add3A_338, %add3A_337 : i32
        %get3A_340 = arith.index_cast %add3A_339 : i32 to index
        %get3A_341 = tpu.vector_load %arg10[%get3A_340] {strides = array<i32>} : memref<7200xf32, #tpu.memory_space<vmem>>, vector<16xf32>,
        %get3A_342 = vector.shape_cast %get3A_341 : vector<16xf32> to vector<16xf32>
        %sub3A_343 = arith.constant 1 : i32
        %sub3A_344 = arith.subi %add3A_339, %sub3A_343 : i32
        %get3A_345 = arith.index_cast %sub3A_344 : i32 to index
        %get3A_346 = tpu.vector_load %arg10[%get3A_345] {strides = array<i32>} : memref<7200xf32, #tpu.memory_space<vmem>>, vector<16xf32>,
        %get3A_347 = vector.shape_cast %get3A_346 : vector<16xf32> to vector<16xf32>
        %add3A_348 = arith.constant 1 : i32
        %add3A_349 = arith.addi %add3A_339, %add3A_348 : i32
        %get3A_350 = arith.index_cast %add3A_349 : i32 to index
        %get3A_351 = tpu.vector_load %arg10[%get3A_350] {strides = array<i32>} : memref<7200xf32, #tpu.memory_space<vmem>>, vector<16xf32>,
        %get3A_352 = vector.shape_cast %get3A_351 : vector<16xf32> to vector<16xf32>
        %add3A_353 = arith.addf %get3A_347, %get3A_342 : vector<16xf32>
        %add3A_354 = arith.addf %add3A_353, %get3A_352 : vector<16xf32>
        %add3A_355 = arith.constant 224 : i32
        %add3A_356 = arith.addi %add3A_355, %add3A_337 : i32
        %get3A_357 = arith.index_cast %add3A_356 : i32 to index
        %get3A_358 = tpu.vector_load %arg9[%get3A_357] {strides = array<i32>} : memref<7616xf32, #tpu.memory_space<vmem>>, vector<16xf32>,
        %get3A_359 = vector.shape_cast %get3A_358 : vector<16xf32> to vector<16xf32>
        %mul3A_360 = vector.broadcast %select_n3A_256 : f32 to vector<16xf32>
        %mul3A_361 = arith.mulf %mul3A_360, %sub3A_178 : vector<16xf32>
        %add3A_362 = arith.addf %get3A_133, %mul3A_361 : vector<16xf32>
        %add3A_363 = arith.addf %add3A_354, %get3A_359 : vector<16xf32>
        %mul3A_364 = arith.mulf %add3A_362, %add3A_363 : vector<16xf32>
        %add3A_365 = arith.addf %mul3A_364, %get3A_238 : vector<16xf32>
        %swap3A_366 = arith.index_cast %scan3A_247 : i32 to index
        %swap3A_367 = arith.constant 32 : index
        %swap3A_368 = tpu.vector_load %arg11[%swap3A_366, %swap3A_367] {strides = array<i32>} : memref<32x224xf32, #tpu.memory_space<vmem>>, vector<1x16xf32>,
        %swap3A_369 = vector.shape_cast %swap3A_368 : vector<1x16xf32> to vector<16xf32>
        %swap3A_370 = vector.shape_cast %add3A_365 : vector<16xf32> to vector<1x16xf32>
        tpu.vector_store %arg11[%swap3A_366, %swap3A_367], %swap3A_370 {strides = array<i32>} : memref<32x224xf32, #tpu.memory_space<vmem>>, vector<1x16xf32>,
        %mul3A_371 = arith.constant 224 : i32
        %mul3A_372 = arith.muli %scan3A_247, %mul3A_371 : i32
        %add3A_373 = arith.constant 48 : i32
        %add3A_374 = arith.addi %mul3A_372, %add3A_373 : i32
        %add3A_375 = arith.constant 16 : i32
        %add3A_376 = arith.addi %add3A_375, %add3A_374 : i32
        %get3A_377 = arith.index_cast %add3A_376 : i32 to index
        %get3A_378 = tpu.vector_load %arg10[%get3A_377] {strides = array<i32>} : memref<7200xf32, #tpu.memory_space<vmem>>, vector<16xf32>,
        %get3A_379 = vector.shape_cast %get3A_378 : vector<16xf32> to vector<16xf32>
        %sub3A_380 = arith.constant 1 : i32
        %sub3A_381 = arith.subi %add3A_376, %sub3A_380 : i32
        %get3A_382 = arith.index_cast %sub3A_381 : i32 to index
        %get3A_383 = tpu.vector_load %arg10[%get3A_382] {strides = array<i32>} : memref<7200xf32, #tpu.memory_space<vmem>>, vector<16xf32>,
        %get3A_384 = vector.shape_cast %get3A_383 : vector<16xf32> to vector<16xf32>
        %add3A_385 = arith.constant 1 : i32
        %add3A_386 = arith.addi %add3A_376, %add3A_385 : i32
        %get3A_387 = arith.index_cast %add3A_386 : i32 to index
        %get3A_388 = tpu.vector_load %arg10[%get3A_387] {strides = array<i32>} : memref<7200xf32, #tpu.memory_space<vmem>>, vector<16xf32>,
        %get3A_389 = vector.shape_cast %get3A_388 : vector<16xf32> to vector<16xf32>
        %add3A_390 = arith.addf %get3A_384, %get3A_379 : vector<16xf32>
        %add3A_391 = arith.addf %add3A_390, %get3A_389 : vector<16xf32>
        %add3A_392 = arith.constant 224 : i32
        %add3A_393 = arith.addi %add3A_392, %add3A_374 : i32
        %get3A_394 = arith.index_cast %add3A_393 : i32 to index
        %get3A_395 = tpu.vector_load %arg9[%get3A_394] {strides = array<i32>} : memref<7616xf32, #tpu.memory_space<vmem>>, vector<16xf32>,
        %get3A_396 = vector.shape_cast %get3A_395 : vector<16xf32> to vector<16xf32>
        %mul3A_397 = vector.broadcast %select_n3A_256 : f32 to vector<16xf32>
        %mul3A_398 = arith.mulf %mul3A_397, %sub3A_182 : vector<16xf32>
        %add3A_399 = arith.addf %get3A_136, %mul3A_398 : vector<16xf32>
        %add3A_400 = arith.addf %add3A_391, %get3A_396 : vector<16xf32>
        %mul3A_401 = arith.mulf %add3A_399, %add3A_400 : vector<16xf32>
        %add3A_402 = arith.addf %mul3A_401, %get3A_238 : vector<16xf32>
        %swap3A_403 = arith.index_cast %scan3A_247 : i32 to index
        %swap3A_404 = arith.constant 48 : index
        %swap3A_405 = tpu.vector_load %arg11[%swap3A_403, %swap3A_404] {strides = array<i32>} : memref<32x224xf32, #tpu.memory_space<vmem>>, vector<1x16xf32>,
        %swap3A_406 = vector.shape_cast %swap3A_405 : vector<1x16xf32> to vector<16xf32>
        %swap3A_407 = vector.shape_cast %add3A_402 : vector<16xf32> to vector<1x16xf32>
        tpu.vector_store %arg11[%swap3A_403, %swap3A_404], %swap3A_407 {strides = array<i32>} : memref<32x224xf32, #tpu.memory_space<vmem>>, vector<1x16xf32>,
        %mul3A_408 = arith.constant 224 : i32
        %mul3A_409 = arith.muli %scan3A_247, %mul3A_408 : i32
        %add3A_410 = arith.constant 64 : i32
        %add3A_411 = arith.addi %mul3A_409, %add3A_410 : i32
        %add3A_412 = arith.constant 16 : i32
        %add3A_413 = arith.addi %add3A_412, %add3A_411 : i32
        %get3A_414 = arith.index_cast %add3A_413 : i32 to index
        %get3A_415 = tpu.vector_load %arg10[%get3A_414] {strides = array<i32>} : memref<7200xf32, #tpu.memory_space<vmem>>, vector<16xf32>,
        %get3A_416 = vector.shape_cast %get3A_415 : vector<16xf32> to vector<16xf32>
        %sub3A_417 = arith.constant 1 : i32
        %sub3A_418 = arith.subi %add3A_413, %sub3A_417 : i32
        %get3A_419 = arith.index_cast %sub3A_418 : i32 to index
        %get3A_420 = tpu.vector_load %arg10[%get3A_419] {strides = array<i32>} : memref<7200xf32, #tpu.memory_space<vmem>>, vector<16xf32>,
        %get3A_421 = vector.shape_cast %get3A_420 : vector<16xf32> to vector<16xf32>
        %add3A_422 = arith.constant 1 : i32
        %add3A_423 = arith.addi %add3A_413, %add3A_422 : i32
        %get3A_424 = arith.index_cast %add3A_423 : i32 to index
        %get3A_425 = tpu.vector_load %arg10[%get3A_424] {strides = array<i32>} : memref<7200xf32, #tpu.memory_space<vmem>>, vector<16xf32>,
        %get3A_426 = vector.shape_cast %get3A_425 : vector<16xf32> to vector<16xf32>
        %add3A_427 = arith.addf %get3A_421, %get3A_416 : vector<16xf32>
        %add3A_428 = arith.addf %add3A_427, %get3A_426 : vector<16xf32>
        %add3A_429 = arith.constant 224 : i32
        %add3A_430 = arith.addi %add3A_429, %add3A_411 : i32
        %get3A_431 = arith.index_cast %add3A_430 : i32 to index
        %get3A_432 = tpu.vector_load %arg9[%get3A_431] {strides = array<i32>} : memref<7616xf32, #tpu.memory_space<vmem>>, vector<16xf32>,
        %get3A_433 = vector.shape_cast %get3A_432 : vector<16xf32> to vector<16xf32>
        %mul3A_434 = vector.broadcast %select_n3A_256 : f32 to vector<16xf32>
        %mul3A_435 = arith.mulf %mul3A_434, %sub3A_186 : vector<16xf32>
        %add3A_436 = arith.addf %get3A_139, %mul3A_435 : vector<16xf32>
        %add3A_437 = arith.addf %add3A_428, %get3A_433 : vector<16xf32>
        %mul3A_438 = arith.mulf %add3A_436, %add3A_437 : vector<16xf32>
        %add3A_439 = arith.addf %mul3A_438, %get3A_238 : vector<16xf32>
        %swap3A_440 = arith.index_cast %scan3A_247 : i32 to index
        %swap3A_441 = arith.constant 64 : index
        %swap3A_442 = tpu.vector_load %arg11[%swap3A_440, %swap3A_441] {strides = array<i32>} : memref<32x224xf32, #tpu.memory_space<vmem>>, vector<1x16xf32>,
        %swap3A_443 = vector.shape_cast %swap3A_442 : vector<1x16xf32> to vector<16xf32>
        %swap3A_444 = vector.shape_cast %add3A_439 : vector<16xf32> to vector<1x16xf32>
        tpu.vector_store %arg11[%swap3A_440, %swap3A_441], %swap3A_444 {strides = array<i32>} : memref<32x224xf32, #tpu.memory_space<vmem>>, vector<1x16xf32>,
        %mul3A_445 = arith.constant 224 : i32
        %mul3A_446 = arith.muli %scan3A_247, %mul3A_445 : i32
        %add3A_447 = arith.constant 80 : i32
        %add3A_448 = arith.addi %mul3A_446, %add3A_447 : i32
        %add3A_449 = arith.constant 16 : i32
        %add3A_450 = arith.addi %add3A_449, %add3A_448 : i32
        %get3A_451 = arith.index_cast %add3A_450 : i32 to index
        %get3A_452 = tpu.vector_load %arg10[%get3A_451] {strides = array<i32>} : memref<7200xf32, #tpu.memory_space<vmem>>, vector<16xf32>,
        %get3A_453 = vector.shape_cast %get3A_452 : vector<16xf32> to vector<16xf32>
        %sub3A_454 = arith.constant 1 : i32
        %sub3A_455 = arith.subi %add3A_450, %sub3A_454 : i32
        %get3A_456 = arith.index_cast %sub3A_455 : i32 to index
        %get3A_457 = tpu.vector_load %arg10[%get3A_456] {strides = array<i32>} : memref<7200xf32, #tpu.memory_space<vmem>>, vector<16xf32>,
        %get3A_458 = vector.shape_cast %get3A_457 : vector<16xf32> to vector<16xf32>
        %add3A_459 = arith.constant 1 : i32
        %add3A_460 = arith.addi %add3A_450, %add3A_459 : i32
        %get3A_461 = arith.index_cast %add3A_460 : i32 to index
        %get3A_462 = tpu.vector_load %arg10[%get3A_461] {strides = array<i32>} : memref<7200xf32, #tpu.memory_space<vmem>>, vector<16xf32>,
        %get3A_463 = vector.shape_cast %get3A_462 : vector<16xf32> to vector<16xf32>
        %add3A_464 = arith.addf %get3A_458, %get3A_453 : vector<16xf32>
        %add3A_465 = arith.addf %add3A_464, %get3A_463 : vector<16xf32>
        %add3A_466 = arith.constant 224 : i32
        %add3A_467 = arith.addi %add3A_466, %add3A_448 : i32
        %get3A_468 = arith.index_cast %add3A_467 : i32 to index
        %get3A_469 = tpu.vector_load %arg9[%get3A_468] {strides = array<i32>} : memref<7616xf32, #tpu.memory_space<vmem>>, vector<16xf32>,
        %get3A_470 = vector.shape_cast %get3A_469 : vector<16xf32> to vector<16xf32>
        %mul3A_471 = vector.broadcast %select_n3A_256 : f32 to vector<16xf32>
        %mul3A_472 = arith.mulf %mul3A_471, %sub3A_190 : vector<16xf32>
        %add3A_473 = arith.addf %get3A_142, %mul3A_472 : vector<16xf32>
        %add3A_474 = arith.addf %add3A_465, %get3A_470 : vector<16xf32>
        %mul3A_475 = arith.mulf %add3A_473, %add3A_474 : vector<16xf32>
        %add3A_476 = arith.addf %mul3A_475, %get3A_238 : vector<16xf32>
        %swap3A_477 = arith.index_cast %scan3A_247 : i32 to index
        %swap3A_478 = arith.constant 80 : index
        %swap3A_479 = tpu.vector_load %arg11[%swap3A_477, %swap3A_478] {strides = array<i32>} : memref<32x224xf32, #tpu.memory_space<vmem>>, vector<1x16xf32>,
        %swap3A_480 = vector.shape_cast %swap3A_479 : vector<1x16xf32> to vector<16xf32>
        %swap3A_481 = vector.shape_cast %add3A_476 : vector<16xf32> to vector<1x16xf32>
        tpu.vector_store %arg11[%swap3A_477, %swap3A_478], %swap3A_481 {strides = array<i32>} : memref<32x224xf32, #tpu.memory_space<vmem>>, vector<1x16xf32>,
        %mul3A_482 = arith.constant 224 : i32
        %mul3A_483 = arith.muli %scan3A_247, %mul3A_482 : i32
        %add3A_484 = arith.constant 96 : i32
        %add3A_485 = arith.addi %mul3A_483, %add3A_484 : i32
        %add3A_486 = arith.constant 16 : i32
        %add3A_487 = arith.addi %add3A_486, %add3A_485 : i32
        %get3A_488 = arith.index_cast %add3A_487 : i32 to index
        %get3A_489 = tpu.vector_load %arg10[%get3A_488] {strides = array<i32>} : memref<7200xf32, #tpu.memory_space<vmem>>, vector<16xf32>,
        %get3A_490 = vector.shape_cast %get3A_489 : vector<16xf32> to vector<16xf32>
        %sub3A_491 = arith.constant 1 : i32
        %sub3A_492 = arith.subi %add3A_487, %sub3A_491 : i32
        %get3A_493 = arith.index_cast %sub3A_492 : i32 to index
        %get3A_494 = tpu.vector_load %arg10[%get3A_493] {strides = array<i32>} : memref<7200xf32, #tpu.memory_space<vmem>>, vector<16xf32>,
        %get3A_495 = vector.shape_cast %get3A_494 : vector<16xf32> to vector<16xf32>
        %add3A_496 = arith.constant 1 : i32
        %add3A_497 = arith.addi %add3A_487, %add3A_496 : i32
        %get3A_498 = arith.index_cast %add3A_497 : i32 to index
        %get3A_499 = tpu.vector_load %arg10[%get3A_498] {strides = array<i32>} : memref<7200xf32, #tpu.memory_space<vmem>>, vector<16xf32>,
        %get3A_500 = vector.shape_cast %get3A_499 : vector<16xf32> to vector<16xf32>
        %add3A_501 = arith.addf %get3A_495, %get3A_490 : vector<16xf32>
        %add3A_502 = arith.addf %add3A_501, %get3A_500 : vector<16xf32>
        %add3A_503 = arith.constant 224 : i32
        %add3A_504 = arith.addi %add3A_503, %add3A_485 : i32
        %get3A_505 = arith.index_cast %add3A_504 : i32 to index
        %get3A_506 = tpu.vector_load %arg9[%get3A_505] {strides = array<i32>} : memref<7616xf32, #tpu.memory_space<vmem>>, vector<16xf32>,
        %get3A_507 = vector.shape_cast %get3A_506 : vector<16xf32> to vector<16xf32>
        %mul3A_508 = vector.broadcast %select_n3A_256 : f32 to vector<16xf32>
        %mul3A_509 = arith.mulf %mul3A_508, %sub3A_194 : vector<16xf32>
        %add3A_510 = arith.addf %get3A_145, %mul3A_509 : vector<16xf32>
        %add3A_511 = arith.addf %add3A_502, %get3A_507 : vector<16xf32>
        %mul3A_512 = arith.mulf %add3A_510, %add3A_511 : vector<16xf32>
        %add3A_513 = arith.addf %mul3A_512, %get3A_238 : vector<16xf32>
        %swap3A_514 = arith.index_cast %scan3A_247 : i32 to index
        %swap3A_515 = arith.constant 96 : index
        %swap3A_516 = tpu.vector_load %arg11[%swap3A_514, %swap3A_515] {strides = array<i32>} : memref<32x224xf32, #tpu.memory_space<vmem>>, vector<1x16xf32>,
        %swap3A_517 = vector.shape_cast %swap3A_516 : vector<1x16xf32> to vector<16xf32>
        %swap3A_518 = vector.shape_cast %add3A_513 : vector<16xf32> to vector<1x16xf32>
        tpu.vector_store %arg11[%swap3A_514, %swap3A_515], %swap3A_518 {strides = array<i32>} : memref<32x224xf32, #tpu.memory_space<vmem>>, vector<1x16xf32>,
        %mul3A_519 = arith.constant 224 : i32
        %mul3A_520 = arith.muli %scan3A_247, %mul3A_519 : i32
        %add3A_521 = arith.constant 112 : i32
        %add3A_522 = arith.addi %mul3A_520, %add3A_521 : i32
        %add3A_523 = arith.constant 16 : i32
        %add3A_524 = arith.addi %add3A_523, %add3A_522 : i32
        %get3A_525 = arith.index_cast %add3A_524 : i32 to index
        %get3A_526 = tpu.vector_load %arg10[%get3A_525] {strides = array<i32>} : memref<7200xf32, #tpu.memory_space<vmem>>, vector<16xf32>,
        %get3A_527 = vector.shape_cast %get3A_526 : vector<16xf32> to vector<16xf32>
        %sub3A_528 = arith.constant 1 : i32
        %sub3A_529 = arith.subi %add3A_524, %sub3A_528 : i32
        %get3A_530 = arith.index_cast %sub3A_529 : i32 to index
        %get3A_531 = tpu.vector_load %arg10[%get3A_530] {strides = array<i32>} : memref<7200xf32, #tpu.memory_space<vmem>>, vector<16xf32>,
        %get3A_532 = vector.shape_cast %get3A_531 : vector<16xf32> to vector<16xf32>
        %add3A_533 = arith.constant 1 : i32
        %add3A_534 = arith.addi %add3A_524, %add3A_533 : i32
        %get3A_535 = arith.index_cast %add3A_534 : i32 to index
        %get3A_536 = tpu.vector_load %arg10[%get3A_535] {strides = array<i32>} : memref<7200xf32, #tpu.memory_space<vmem>>, vector<16xf32>,
        %get3A_537 = vector.shape_cast %get3A_536 : vector<16xf32> to vector<16xf32>
        %add3A_538 = arith.addf %get3A_532, %get3A_527 : vector<16xf32>
        %add3A_539 = arith.addf %add3A_538, %get3A_537 : vector<16xf32>
        %add3A_540 = arith.constant 224 : i32
        %add3A_541 = arith.addi %add3A_540, %add3A_522 : i32
        %get3A_542 = arith.index_cast %add3A_541 : i32 to index
        %get3A_543 = tpu.vector_load %arg9[%get3A_542] {strides = array<i32>} : memref<7616xf32, #tpu.memory_space<vmem>>, vector<16xf32>,
        %get3A_544 = vector.shape_cast %get3A_543 : vector<16xf32> to vector<16xf32>
        %mul3A_545 = vector.broadcast %select_n3A_256 : f32 to vector<16xf32>
        %mul3A_546 = arith.mulf %mul3A_545, %sub3A_198 : vector<16xf32>
        %add3A_547 = arith.addf %get3A_148, %mul3A_546 : vector<16xf32>
        %add3A_548 = arith.addf %add3A_539, %get3A_544 : vector<16xf32>
        %mul3A_549 = arith.mulf %add3A_547, %add3A_548 : vector<16xf32>
        %add3A_550 = arith.addf %mul3A_549, %get3A_238 : vector<16xf32>
        %swap3A_551 = arith.index_cast %scan3A_247 : i32 to index
        %swap3A_552 = arith.constant 112 : index
        %swap3A_553 = tpu.vector_load %arg11[%swap3A_551, %swap3A_552] {strides = array<i32>} : memref<32x224xf32, #tpu.memory_space<vmem>>, vector<1x16xf32>,
        %swap3A_554 = vector.shape_cast %swap3A_553 : vector<1x16xf32> to vector<16xf32>
        %swap3A_555 = vector.shape_cast %add3A_550 : vector<16xf32> to vector<1x16xf32>
        tpu.vector_store %arg11[%swap3A_551, %swap3A_552], %swap3A_555 {strides = array<i32>} : memref<32x224xf32, #tpu.memory_space<vmem>>, vector<1x16xf32>,
        %mul3A_556 = arith.constant 224 : i32
        %mul3A_557 = arith.muli %scan3A_247, %mul3A_556 : i32
        %add3A_558 = arith.constant 128 : i32
        %add3A_559 = arith.addi %mul3A_557, %add3A_558 : i32
        %add3A_560 = arith.constant 16 : i32
        %add3A_561 = arith.addi %add3A_560, %add3A_559 : i32
        %get3A_562 = arith.index_cast %add3A_561 : i32 to index
        %get3A_563 = tpu.vector_load %arg10[%get3A_562] {strides = array<i32>} : memref<7200xf32, #tpu.memory_space<vmem>>, vector<16xf32>,
        %get3A_564 = vector.shape_cast %get3A_563 : vector<16xf32> to vector<16xf32>
        %sub3A_565 = arith.constant 1 : i32
        %sub3A_566 = arith.subi %add3A_561, %sub3A_565 : i32
        %get3A_567 = arith.index_cast %sub3A_566 : i32 to index
        %get3A_568 = tpu.vector_load %arg10[%get3A_567] {strides = array<i32>} : memref<7200xf32, #tpu.memory_space<vmem>>, vector<16xf32>,
        %get3A_569 = vector.shape_cast %get3A_568 : vector<16xf32> to vector<16xf32>
        %add3A_570 = arith.constant 1 : i32
        %add3A_571 = arith.addi %add3A_561, %add3A_570 : i32
        %get3A_572 = arith.index_cast %add3A_571 : i32 to index
        %get3A_573 = tpu.vector_load %arg10[%get3A_572] {strides = array<i32>} : memref<7200xf32, #tpu.memory_space<vmem>>, vector<16xf32>,
        %get3A_574 = vector.shape_cast %get3A_573 : vector<16xf32> to vector<16xf32>
        %add3A_575 = arith.addf %get3A_569, %get3A_564 : vector<16xf32>
        %add3A_576 = arith.addf %add3A_575, %get3A_574 : vector<16xf32>
        %add3A_577 = arith.constant 224 : i32
        %add3A_578 = arith.addi %add3A_577, %add3A_559 : i32
        %get3A_579 = arith.index_cast %add3A_578 : i32 to index
        %get3A_580 = tpu.vector_load %arg9[%get3A_579] {strides = array<i32>} : memref<7616xf32, #tpu.memory_space<vmem>>, vector<16xf32>,
        %get3A_581 = vector.shape_cast %get3A_580 : vector<16xf32> to vector<16xf32>
        %mul3A_582 = vector.broadcast %select_n3A_256 : f32 to vector<16xf32>
        %mul3A_583 = arith.mulf %mul3A_582, %sub3A_202 : vector<16xf32>
        %add3A_584 = arith.addf %get3A_151, %mul3A_583 : vector<16xf32>
        %add3A_585 = arith.addf %add3A_576, %get3A_581 : vector<16xf32>
        %mul3A_586 = arith.mulf %add3A_584, %add3A_585 : vector<16xf32>
        %add3A_587 = arith.addf %mul3A_586, %get3A_238 : vector<16xf32>
        %swap3A_588 = arith.index_cast %scan3A_247 : i32 to index
        %swap3A_589 = arith.constant 128 : index
        %swap3A_590 = tpu.vector_load %arg11[%swap3A_588, %swap3A_589] {strides = array<i32>} : memref<32x224xf32, #tpu.memory_space<vmem>>, vector<1x16xf32>,
        %swap3A_591 = vector.shape_cast %swap3A_590 : vector<1x16xf32> to vector<16xf32>
        %swap3A_592 = vector.shape_cast %add3A_587 : vector<16xf32> to vector<1x16xf32>
        tpu.vector_store %arg11[%swap3A_588, %swap3A_589], %swap3A_592 {strides = array<i32>} : memref<32x224xf32, #tpu.memory_space<vmem>>, vector<1x16xf32>,
        %mul3A_593 = arith.constant 224 : i32
        %mul3A_594 = arith.muli %scan3A_247, %mul3A_593 : i32
        %add3A_595 = arith.constant 144 : i32
        %add3A_596 = arith.addi %mul3A_594, %add3A_595 : i32
        %add3A_597 = arith.constant 16 : i32
        %add3A_598 = arith.addi %add3A_597, %add3A_596 : i32
        %get3A_599 = arith.index_cast %add3A_598 : i32 to index
        %get3A_600 = tpu.vector_load %arg10[%get3A_599] {strides = array<i32>} : memref<7200xf32, #tpu.memory_space<vmem>>, vector<16xf32>,
        %get3A_601 = vector.shape_cast %get3A_600 : vector<16xf32> to vector<16xf32>
        %sub3A_602 = arith.constant 1 : i32
        %sub3A_603 = arith.subi %add3A_598, %sub3A_602 : i32
        %get3A_604 = arith.index_cast %sub3A_603 : i32 to index
        %get3A_605 = tpu.vector_load %arg10[%get3A_604] {strides = array<i32>} : memref<7200xf32, #tpu.memory_space<vmem>>, vector<16xf32>,
        %get3A_606 = vector.shape_cast %get3A_605 : vector<16xf32> to vector<16xf32>
        %add3A_607 = arith.constant 1 : i32
        %add3A_608 = arith.addi %add3A_598, %add3A_607 : i32
        %get3A_609 = arith.index_cast %add3A_608 : i32 to index
        %get3A_610 = tpu.vector_load %arg10[%get3A_609] {strides = array<i32>} : memref<7200xf32, #tpu.memory_space<vmem>>, vector<16xf32>,
        %get3A_611 = vector.shape_cast %get3A_610 : vector<16xf32> to vector<16xf32>
        %add3A_612 = arith.addf %get3A_606, %get3A_601 : vector<16xf32>
        %add3A_613 = arith.addf %add3A_612, %get3A_611 : vector<16xf32>
        %add3A_614 = arith.constant 224 : i32
        %add3A_615 = arith.addi %add3A_614, %add3A_596 : i32
        %get3A_616 = arith.index_cast %add3A_615 : i32 to index
        %get3A_617 = tpu.vector_load %arg9[%get3A_616] {strides = array<i32>} : memref<7616xf32, #tpu.memory_space<vmem>>, vector<16xf32>,
        %get3A_618 = vector.shape_cast %get3A_617 : vector<16xf32> to vector<16xf32>
        %mul3A_619 = vector.broadcast %select_n3A_256 : f32 to vector<16xf32>
        %mul3A_620 = arith.mulf %mul3A_619, %sub3A_206 : vector<16xf32>
        %add3A_621 = arith.addf %get3A_154, %mul3A_620 : vector<16xf32>
        %add3A_622 = arith.addf %add3A_613, %get3A_618 : vector<16xf32>
        %mul3A_623 = arith.mulf %add3A_621, %add3A_622 : vector<16xf32>
        %add3A_624 = arith.addf %mul3A_623, %get3A_238 : vector<16xf32>
        %swap3A_625 = arith.index_cast %scan3A_247 : i32 to index
        %swap3A_626 = arith.constant 144 : index
        %swap3A_627 = tpu.vector_load %arg11[%swap3A_625, %swap3A_626] {strides = array<i32>} : memref<32x224xf32, #tpu.memory_space<vmem>>, vector<1x16xf32>,
        %swap3A_628 = vector.shape_cast %swap3A_627 : vector<1x16xf32> to vector<16xf32>
        %swap3A_629 = vector.shape_cast %add3A_624 : vector<16xf32> to vector<1x16xf32>
        tpu.vector_store %arg11[%swap3A_625, %swap3A_626], %swap3A_629 {strides = array<i32>} : memref<32x224xf32, #tpu.memory_space<vmem>>, vector<1x16xf32>,
        %mul3A_630 = arith.constant 224 : i32
        %mul3A_631 = arith.muli %scan3A_247, %mul3A_630 : i32
        %add3A_632 = arith.constant 160 : i32
        %add3A_633 = arith.addi %mul3A_631, %add3A_632 : i32
        %add3A_634 = arith.constant 16 : i32
        %add3A_635 = arith.addi %add3A_634, %add3A_633 : i32
        %get3A_636 = arith.index_cast %add3A_635 : i32 to index
        %get3A_637 = tpu.vector_load %arg10[%get3A_636] {strides = array<i32>} : memref<7200xf32, #tpu.memory_space<vmem>>, vector<16xf32>,
        %get3A_638 = vector.shape_cast %get3A_637 : vector<16xf32> to vector<16xf32>
        %sub3A_639 = arith.constant 1 : i32
        %sub3A_640 = arith.subi %add3A_635, %sub3A_639 : i32
        %get3A_641 = arith.index_cast %sub3A_640 : i32 to index
        %get3A_642 = tpu.vector_load %arg10[%get3A_641] {strides = array<i32>} : memref<7200xf32, #tpu.memory_space<vmem>>, vector<16xf32>,
        %get3A_643 = vector.shape_cast %get3A_642 : vector<16xf32> to vector<16xf32>
        %add3A_644 = arith.constant 1 : i32
        %add3A_645 = arith.addi %add3A_635, %add3A_644 : i32
        %get3A_646 = arith.index_cast %add3A_645 : i32 to index
        %get3A_647 = tpu.vector_load %arg10[%get3A_646] {strides = array<i32>} : memref<7200xf32, #tpu.memory_space<vmem>>, vector<16xf32>,
        %get3A_648 = vector.shape_cast %get3A_647 : vector<16xf32> to vector<16xf32>
        %add3A_649 = arith.addf %get3A_643, %get3A_638 : vector<16xf32>
        %add3A_650 = arith.addf %add3A_649, %get3A_648 : vector<16xf32>
        %add3A_651 = arith.constant 224 : i32
        %add3A_652 = arith.addi %add3A_651, %add3A_633 : i32
        %get3A_653 = arith.index_cast %add3A_652 : i32 to index
        %get3A_654 = tpu.vector_load %arg9[%get3A_653] {strides = array<i32>} : memref<7616xf32, #tpu.memory_space<vmem>>, vector<16xf32>,
        %get3A_655 = vector.shape_cast %get3A_654 : vector<16xf32> to vector<16xf32>
        %mul3A_656 = vector.broadcast %select_n3A_256 : f32 to vector<16xf32>
        %mul3A_657 = arith.mulf %mul3A_656, %sub3A_210 : vector<16xf32>
        %add3A_658 = arith.addf %get3A_157, %mul3A_657 : vector<16xf32>
        %add3A_659 = arith.addf %add3A_650, %get3A_655 : vector<16xf32>
        %mul3A_660 = arith.mulf %add3A_658, %add3A_659 : vector<16xf32>
        %add3A_661 = arith.addf %mul3A_660, %get3A_238 : vector<16xf32>
        %swap3A_662 = arith.index_cast %scan3A_247 : i32 to index
        %swap3A_663 = arith.constant 160 : index
        %swap3A_664 = tpu.vector_load %arg11[%swap3A_662, %swap3A_663] {strides = array<i32>} : memref<32x224xf32, #tpu.memory_space<vmem>>, vector<1x16xf32>,
        %swap3A_665 = vector.shape_cast %swap3A_664 : vector<1x16xf32> to vector<16xf32>
        %swap3A_666 = vector.shape_cast %add3A_661 : vector<16xf32> to vector<1x16xf32>
        tpu.vector_store %arg11[%swap3A_662, %swap3A_663], %swap3A_666 {strides = array<i32>} : memref<32x224xf32, #tpu.memory_space<vmem>>, vector<1x16xf32>,
        %mul3A_667 = arith.constant 224 : i32
        %mul3A_668 = arith.muli %scan3A_247, %mul3A_667 : i32
        %add3A_669 = arith.constant 176 : i32
        %add3A_670 = arith.addi %mul3A_668, %add3A_669 : i32
        %add3A_671 = arith.constant 16 : i32
        %add3A_672 = arith.addi %add3A_671, %add3A_670 : i32
        %get3A_673 = arith.index_cast %add3A_672 : i32 to index
        %get3A_674 = tpu.vector_load %arg10[%get3A_673] {strides = array<i32>} : memref<7200xf32, #tpu.memory_space<vmem>>, vector<16xf32>,
        %get3A_675 = vector.shape_cast %get3A_674 : vector<16xf32> to vector<16xf32>
        %sub3A_676 = arith.constant 1 : i32
        %sub3A_677 = arith.subi %add3A_672, %sub3A_676 : i32
        %get3A_678 = arith.index_cast %sub3A_677 : i32 to index
        %get3A_679 = tpu.vector_load %arg10[%get3A_678] {strides = array<i32>} : memref<7200xf32, #tpu.memory_space<vmem>>, vector<16xf32>,
        %get3A_680 = vector.shape_cast %get3A_679 : vector<16xf32> to vector<16xf32>
        %add3A_681 = arith.constant 1 : i32
        %add3A_682 = arith.addi %add3A_672, %add3A_681 : i32
        %get3A_683 = arith.index_cast %add3A_682 : i32 to index
        %get3A_684 = tpu.vector_load %arg10[%get3A_683] {strides = array<i32>} : memref<7200xf32, #tpu.memory_space<vmem>>, vector<16xf32>,
        %get3A_685 = vector.shape_cast %get3A_684 : vector<16xf32> to vector<16xf32>
        %add3A_686 = arith.addf %get3A_680, %get3A_675 : vector<16xf32>
        %add3A_687 = arith.addf %add3A_686, %get3A_685 : vector<16xf32>
        %add3A_688 = arith.constant 224 : i32
        %add3A_689 = arith.addi %add3A_688, %add3A_670 : i32
        %get3A_690 = arith.index_cast %add3A_689 : i32 to index
        %get3A_691 = tpu.vector_load %arg9[%get3A_690] {strides = array<i32>} : memref<7616xf32, #tpu.memory_space<vmem>>, vector<16xf32>,
        %get3A_692 = vector.shape_cast %get3A_691 : vector<16xf32> to vector<16xf32>
        %mul3A_693 = vector.broadcast %select_n3A_256 : f32 to vector<16xf32>
        %mul3A_694 = arith.mulf %mul3A_693, %sub3A_214 : vector<16xf32>
        %add3A_695 = arith.addf %get3A_160, %mul3A_694 : vector<16xf32>
        %add3A_696 = arith.addf %add3A_687, %get3A_692 : vector<16xf32>
        %mul3A_697 = arith.mulf %add3A_695, %add3A_696 : vector<16xf32>
        %add3A_698 = arith.addf %mul3A_697, %get3A_238 : vector<16xf32>
        %swap3A_699 = arith.index_cast %scan3A_247 : i32 to index
        %swap3A_700 = arith.constant 176 : index
        %swap3A_701 = tpu.vector_load %arg11[%swap3A_699, %swap3A_700] {strides = array<i32>} : memref<32x224xf32, #tpu.memory_space<vmem>>, vector<1x16xf32>,
        %swap3A_702 = vector.shape_cast %swap3A_701 : vector<1x16xf32> to vector<16xf32>
        %swap3A_703 = vector.shape_cast %add3A_698 : vector<16xf32> to vector<1x16xf32>
        tpu.vector_store %arg11[%swap3A_699, %swap3A_700], %swap3A_703 {strides = array<i32>} : memref<32x224xf32, #tpu.memory_space<vmem>>, vector<1x16xf32>,
        %mul3A_704 = arith.constant 224 : i32
        %mul3A_705 = arith.muli %scan3A_247, %mul3A_704 : i32
        %add3A_706 = arith.constant 192 : i32
        %add3A_707 = arith.addi %mul3A_705, %add3A_706 : i32
        %add3A_708 = arith.constant 16 : i32
        %add3A_709 = arith.addi %add3A_708, %add3A_707 : i32
        %get3A_710 = arith.index_cast %add3A_709 : i32 to index
        %get3A_711 = tpu.vector_load %arg10[%get3A_710] {strides = array<i32>} : memref<7200xf32, #tpu.memory_space<vmem>>, vector<16xf32>,
        %get3A_712 = vector.shape_cast %get3A_711 : vector<16xf32> to vector<16xf32>
        %sub3A_713 = arith.constant 1 : i32
        %sub3A_714 = arith.subi %add3A_709, %sub3A_713 : i32
        %get3A_715 = arith.index_cast %sub3A_714 : i32 to index
        %get3A_716 = tpu.vector_load %arg10[%get3A_715] {strides = array<i32>} : memref<7200xf32, #tpu.memory_space<vmem>>, vector<16xf32>,
        %get3A_717 = vector.shape_cast %get3A_716 : vector<16xf32> to vector<16xf32>
        %add3A_718 = arith.constant 1 : i32
        %add3A_719 = arith.addi %add3A_709, %add3A_718 : i32
        %get3A_720 = arith.index_cast %add3A_719 : i32 to index
        %get3A_721 = tpu.vector_load %arg10[%get3A_720] {strides = array<i32>} : memref<7200xf32, #tpu.memory_space<vmem>>, vector<16xf32>,
        %get3A_722 = vector.shape_cast %get3A_721 : vector<16xf32> to vector<16xf32>
        %add3A_723 = arith.addf %get3A_717, %get3A_712 : vector<16xf32>
        %add3A_724 = arith.addf %add3A_723, %get3A_722 : vector<16xf32>
        %add3A_725 = arith.constant 224 : i32
        %add3A_726 = arith.addi %add3A_725, %add3A_707 : i32
        %get3A_727 = arith.index_cast %add3A_726 : i32 to index
        %get3A_728 = tpu.vector_load %arg9[%get3A_727] {strides = array<i32>} : memref<7616xf32, #tpu.memory_space<vmem>>, vector<16xf32>,
        %get3A_729 = vector.shape_cast %get3A_728 : vector<16xf32> to vector<16xf32>
        %mul3A_730 = vector.broadcast %select_n3A_256 : f32 to vector<16xf32>
        %mul3A_731 = arith.mulf %mul3A_730, %sub3A_218 : vector<16xf32>
        %add3A_732 = arith.addf %get3A_163, %mul3A_731 : vector<16xf32>
        %add3A_733 = arith.addf %add3A_724, %get3A_729 : vector<16xf32>
        %mul3A_734 = arith.mulf %add3A_732, %add3A_733 : vector<16xf32>
        %add3A_735 = arith.addf %mul3A_734, %get3A_238 : vector<16xf32>
        %swap3A_736 = arith.index_cast %scan3A_247 : i32 to index
        %swap3A_737 = arith.constant 192 : index
        %swap3A_738 = tpu.vector_load %arg11[%swap3A_736, %swap3A_737] {strides = array<i32>} : memref<32x224xf32, #tpu.memory_space<vmem>>, vector<1x16xf32>,
        %swap3A_739 = vector.shape_cast %swap3A_738 : vector<1x16xf32> to vector<16xf32>
        %swap3A_740 = vector.shape_cast %add3A_735 : vector<16xf32> to vector<1x16xf32>
        tpu.vector_store %arg11[%swap3A_736, %swap3A_737], %swap3A_740 {strides = array<i32>} : memref<32x224xf32, #tpu.memory_space<vmem>>, vector<1x16xf32>,
        %mul3A_741 = arith.constant 224 : i32
        %mul3A_742 = arith.muli %scan3A_247, %mul3A_741 : i32
        %add3A_743 = arith.constant 208 : i32
        %add3A_744 = arith.addi %mul3A_742, %add3A_743 : i32
        %add3A_745 = arith.constant 16 : i32
        %add3A_746 = arith.addi %add3A_745, %add3A_744 : i32
        %get3A_747 = arith.index_cast %add3A_746 : i32 to index
        %get3A_748 = tpu.vector_load %arg10[%get3A_747] {strides = array<i32>} : memref<7200xf32, #tpu.memory_space<vmem>>, vector<16xf32>,
        %get3A_749 = vector.shape_cast %get3A_748 : vector<16xf32> to vector<16xf32>
        %sub3A_750 = arith.constant 1 : i32
        %sub3A_751 = arith.subi %add3A_746, %sub3A_750 : i32
        %get3A_752 = arith.index_cast %sub3A_751 : i32 to index
        %get3A_753 = tpu.vector_load %arg10[%get3A_752] {strides = array<i32>} : memref<7200xf32, #tpu.memory_space<vmem>>, vector<16xf32>,
        %get3A_754 = vector.shape_cast %get3A_753 : vector<16xf32> to vector<16xf32>
        %add3A_755 = arith.constant 1 : i32
        %add3A_756 = arith.addi %add3A_746, %add3A_755 : i32
        %get3A_757 = arith.index_cast %add3A_756 : i32 to index
        %get3A_758 = tpu.vector_load %arg10[%get3A_757] {strides = array<i32>} : memref<7200xf32, #tpu.memory_space<vmem>>, vector<16xf32>,
        %get3A_759 = vector.shape_cast %get3A_758 : vector<16xf32> to vector<16xf32>
        %jit3A_760 = arith.constant 0.000000e+00 : f32
        %broadcast_in_dim3A_761 = vector.broadcast %jit3A_760 : f32 to vector<16xf32>
        %select_n3A_762 = arith.select %eq3A_125, %broadcast_in_dim3A_761, %get3A_759 : vector<16xi1>, vector<16xf32>
        %add3A_763 = arith.addf %get3A_754, %get3A_749 : vector<16xf32>
        %add3A_764 = arith.addf %add3A_763, %select_n3A_762 : vector<16xf32>
        %add3A_765 = arith.constant 224 : i32
        %add3A_766 = arith.addi %add3A_765, %add3A_744 : i32
        %get3A_767 = arith.index_cast %add3A_766 : i32 to index
        %get3A_768 = tpu.vector_load %arg9[%get3A_767] {strides = array<i32>} : memref<7616xf32, #tpu.memory_space<vmem>>, vector<16xf32>,
        %get3A_769 = vector.shape_cast %get3A_768 : vector<16xf32> to vector<16xf32>
        %mul3A_770 = vector.broadcast %select_n3A_256 : f32 to vector<16xf32>
        %mul3A_771 = arith.mulf %mul3A_770, %sub3A_222 : vector<16xf32>
        %add3A_772 = arith.addf %get3A_166, %mul3A_771 : vector<16xf32>
        %add3A_773 = arith.addf %add3A_764, %get3A_769 : vector<16xf32>
        %mul3A_774 = arith.mulf %add3A_772, %add3A_773 : vector<16xf32>
        %add3A_775 = arith.addf %mul3A_774, %get3A_238 : vector<16xf32>
        %swap3A_776 = arith.index_cast %scan3A_247 : i32 to index
        %swap3A_777 = arith.constant 208 : index
        %swap3A_778 = tpu.vector_load %arg11[%swap3A_776, %swap3A_777] {strides = array<i32>} : memref<32x224xf32, #tpu.memory_space<vmem>>, vector<1x16xf32>,
        %swap3A_779 = vector.shape_cast %swap3A_778 : vector<1x16xf32> to vector<16xf32>
        %swap3A_780 = vector.shape_cast %add3A_775 : vector<16xf32> to vector<1x16xf32>
        tpu.vector_store %arg11[%swap3A_776, %swap3A_777], %swap3A_780 {strides = array<i32>} : memref<32x224xf32, #tpu.memory_space<vmem>>, vector<1x16xf32>,
        %scan3A_781 = arith.constant 0 : i32
        scf.yield %scan3A_781 : i32
      }
      %scan3A_245 = arith.constant 32 : i32
      %multiple_of3A_246 = tpu.assume_multiple %multiple_of3A, 8 : i32
      "tpu.region"() ({
        %run_scoped3A = tpu.sem_alloc : memref<!tpu.dma_semaphore, #tpu.memory_space<semaphore_mem>>
        %dma_start3A_247 = arith.constant 0 : i32
        %dma_start3A_248 = tpu.memref_slice %arg5[%min3A_18, %multiple_of3A_246, %dma_start3A_247] : memref<4x224x224xf32, #tpu.memory_space<hbm>> -> memref<1x32x224xf32, #tpu.memory_space<hbm>>
        %dma_start3A_249 = tpu.memref_squeeze %dma_start3A_248 : memref<1x32x224xf32, #tpu.memory_space<hbm>> -> memref<32x224xf32, #tpu.memory_space<hbm>>
        %dma_start3A_250 = arith.constant 0 : i32
        %dma_start3A_251 = tpu.memref_slice %arg5[%min3A_18, %multiple_of3A_246, %dma_start3A_250] : memref<4x224x224xf32, #tpu.memory_space<hbm>> -> memref<1x32x224xf32, #tpu.memory_space<hbm>>
        %dma_start3A_252 = tpu.memref_squeeze %dma_start3A_251 : memref<1x32x224xf32, #tpu.memory_space<hbm>> -> memref<32x224xf32, #tpu.memory_space<hbm>>
        tpu.enqueue_dma source(%arg11 : memref<32x224xf32, #tpu.memory_space<vmem>>) target(%dma_start3A_252 : memref<32x224xf32, #tpu.memory_space<hbm>>) target_semaphore(%run_scoped3A : memref<!tpu.dma_semaphore, #tpu.memory_space<semaphore_mem>>)
        %dma_wait3A_253 = arith.constant 0 : i32
        %dma_wait3A_254 = tpu.memref_slice %arg5[%min3A_18, %multiple_of3A_246, %dma_wait3A_253] : memref<4x224x224xf32, #tpu.memory_space<hbm>> -> memref<1x32x224xf32, #tpu.memory_space<hbm>>
        %dma_wait3A_255 = tpu.memref_squeeze %dma_wait3A_254 : memref<1x32x224xf32, #tpu.memory_space<hbm>> -> memref<32x224xf32, #tpu.memory_space<hbm>>
        %dma_wait3A_256 = arith.constant 0 : i32
        %dma_wait3A_257 = tpu.memref_slice %arg5[%min3A_18, %multiple_of3A_246, %dma_wait3A_256] : memref<4x224x224xf32, #tpu.memory_space<hbm>> -> memref<1x32x224xf32, #tpu.memory_space<hbm>>
        %dma_wait3A_258 = tpu.memref_squeeze %dma_wait3A_257 : memref<1x32x224xf32, #tpu.memory_space<hbm>> -> memref<32x224xf32, #tpu.memory_space<hbm>>
        tpu.wait_dma2 semaphore(%run_scoped3A : memref<!tpu.dma_semaphore, #tpu.memory_space<semaphore_mem>>) src(%arg11 : memref<32x224xf32, #tpu.memory_space<vmem>>) dst(%dma_wait3A_258 : memref<32x224xf32, #tpu.memory_space<hbm>>)
        tpu.yield
      }) : () -> ()
    } else {
    }
    return
  }
}

module attributes {stable_mosaic.version = 14 : i64} {
  func.func @_reduce_body(%arg0: i32, %arg1: i32, %arg2: memref<1x4x56x32x224xf32, #tpu.memory_space<vmem>>, %arg3: memref<4x1x32x224xf32, #tpu.memory_space<vmem>>, %arg4: memref<1x56x224xf32, #tpu.memory_space<vmem>>) attributes {dimension_semantics = [#tpu.dimension_semantics<arbitrary>, #tpu.dimension_semantics<arbitrary>], iteration_bounds = array<i64: 4, 4>, scalar_prefetch = 0 : i64, scratch_operands = 0 : i64, tpu.core_type = #tpu.core_type<tc>, window_params = [{transform_indices = @transform_0, window_bounds = array<i64: 1, 4, 56, 32, 224>}, {pipeline_mode = #tpu.pipeline_mode<synchronous>, transform_indices = @transform_1, window_bounds = array<i64: 4, 1, 32, 224>}, {transform_indices = @transform_2, window_bounds = array<i64: 1, 56, 224>}]} {
    %get3A = arith.constant 0 : index
    %get3A_0 = arith.constant 0 : index
    %get3A_1 = arith.constant 0 : index
    %get3A_2 = arith.constant 0 : index
    %get3A_3 = arith.constant 0 : index
    %get3A_4 = vector.load %arg2[%get3A, %get3A_0, %get3A_1, %get3A_2, %get3A_3] : memref<1x4x56x32x224xf32, #tpu.memory_space<vmem>>, vector<1x4x56x32x224xf32>
    %get3A_5 = vector.shape_cast %get3A_4 : vector<1x4x56x32x224xf32> to vector<4x56x32x224xf32>
    %get3A_6 = arith.constant 0 : index
    %get3A_7 = arith.constant 0 : index
    %get3A_8 = arith.constant 0 : index
    %get3A_9 = arith.constant 0 : index
    %get3A_10 = vector.load %arg3[%get3A_6, %get3A_7, %get3A_8, %get3A_9] : memref<4x1x32x224xf32, #tpu.memory_space<vmem>>, vector<4x1x32x224xf32>
    %mul3A = vector.broadcast %get3A_10 : vector<4x1x32x224xf32> to vector<4x56x32x224xf32>
    %mul3A_11 = arith.mulf %get3A_5, %mul3A : vector<4x56x32x224xf32>
    %reduce_sum3A = arith.constant dense<0.000000e+00> : vector<56x224xf32>
    %reduce_sum3A_12 = vector.multi_reduction <add>, %mul3A_11, %reduce_sum3A [0, 2] : vector<4x56x32x224xf32> to vector<56x224xf32>
    %swap3A = arith.constant 0 : index
    %swap3A_13 = arith.constant 0 : index
    %swap3A_14 = arith.constant 0 : index
    %swap3A_15 = vector.load %arg4[%swap3A, %swap3A_13, %swap3A_14] : memref<1x56x224xf32, #tpu.memory_space<vmem>>, vector<1x56x224xf32>
    %swap3A_16 = vector.shape_cast %swap3A_15 : vector<1x56x224xf32> to vector<56x224xf32>
    %swap3A_17 = vector.shape_cast %reduce_sum3A_12 : vector<56x224xf32> to vector<1x56x224xf32>
    tpu.vector_store %arg4[%swap3A, %swap3A_13, %swap3A_14], %swap3A_17 {strides = array<i32>} : memref<1x56x224xf32, #tpu.memory_space<vmem>>, vector<1x56x224xf32>,
    return
  }
  func.func @transform_0(%arg0: i32, %arg1: i32) -> (i32, i32, i32, i32, i32) {
    %c0_i32 = arith.constant 0 : i32
    %c0_i32_0 = arith.constant 0 : i32
    %c0_i32_1 = arith.constant 0 : i32
    %c0_i32_2 = arith.constant 0 : i32
    return %arg0, %c0_i32, %arg1, %c0_i32_0, %c0_i32_1 : i32, i32, i32, i32, i32
  }
  func.func @transform_1(%arg0: i32, %arg1: i32) -> (i32, i32, i32, i32) {
    %c0_i32 = arith.constant 0 : i32
    %c0_i32_0 = arith.constant 0 : i32
    %c0_i32_1 = arith.constant 0 : i32
    %c0_i32_2 = arith.constant 0 : i32
    %c0_i32_3 = arith.constant 0 : i32
    return %c0_i32, %c0_i32_0, %c0_i32_1, %c0_i32_2 : i32, i32, i32, i32
  }
  func.func @transform_2(%arg0: i32, %arg1: i32) -> (i32, i32, i32) {
    %c0_i32 = arith.constant 0 : i32
    %c0_i32_0 = arith.constant 0 : i32
    return %arg0, %arg1, %c0_i32 : i32, i32, i32
  }
}

</mosaic_0001>

<sc_bundles>
// kernel: kernel.4.cloned.1.call-start
scs
__scs_entry_jumppad:
0x0: {  	(pc) =	sbr.rel $0x88, $3  }
0x1: {  	(tag) =	ssettag $0x0;
	lr =	simm.s32 $0x1  }
0x2: {  	[smem:$0x3F9E] =	sst lr;
	_ =	strace $0xD0000000  }
0x3: {  	_ = 	snop  }
0x4: {  	_ = 	snop  }
0x5: {  	_ = 	snop  }
0x6: {  	_ = 	snop  }
0x7: {  	_ = 	snop  }
__scs_overlays_trampoline_lowered:
0x8: {  	[smem:$0x3FAD] =	sst s0  }
0x9: {  	[smem:$0x3FAE] =	sst s1  }
0xa: {  	[smem:$0x3FAF] =	sst s2  }
0xb: {  	[smem:$0x3FB0] =	sst s3  }
0xc: {  	[smem:$0x3FB1] =	sst s4  }
0xd: {  	[smem:$0x3FB2] =	sst s5  }
0xe: {  	[smem:$0x3FB3] =	sst s6  }
0xf: {  	[smem:$0x3FB4] =	sst s7  }
0x10: {  	[smem:$0x3FB5] =	sst s8  }
0x11: {  	[smem:$0x3FB6] =	sst s9;
	s0 =	simm.s32 @!p0 $0x0  }
0x12: {  	s1 =	sld [smem:$0x3F9C];
	s0 =	simm.s32 @p0 $0x1  }
0x13: {  	[smem:$0x3FB7] =	sst s0;
	s0 =	simm.s32 @!p1 $0x0  }
0x14: {  	s2 =	sld [smem:$0x3F9B];
	s0 =	simm.s32 @p1 $0x1  }
0x15: {  	[smem:$0x3FB8] =	sst s0;
	s0 =	simm.s32 @!p2 $0x0  }
0x16: {  	s3 =	sld [smem:$0x3FDB];
	s0 =	simm.s32 @p2 $0x1  }
0x17: {  	s4 =	simm.s32 $0x1BF5;
	[smem:$0x3FBA] =	sst s0  }
0x18: {  	s0 =	sld [smem:$0x3F9D];
	_ =	swait.ge [sflag:s4], $0x0  }
0x19: {  	s7 =	sld [smem:$0x3F9E]  }
0x1a: {  	s8 =	sadd.s32 $0xFFFFE003, lr  }
0x1b: {  	s9 =	sadd.s32 $0xFFFFFEF7, lr;
	s5 =	simm.s32 $0xFFFFFFFF;
	p2 =	slt.u32 s8, $0xFFFFF086  }
0x1c: {  	p1 =	slt.u32 s9, $0xF7A;
	s5 =	simm.s32 @!p2 $0x0  }
0x1d: {  	s5 =	simm.s32 @p1 $0x1;
	p0 =	seq.s32 s7, s2  }
0x1e: {  	s7 =	smul.u32 @!p0 $0xF7A, s2;
	p2 =	seq.s32 @!p0 s5, $0x0  }
0x1f: {  	s9 =	smul.u32 $0xF7A, s1;
	s8 =	simm.s32 @!p0 $0x1BF5;
	p2 =	por !p2, p0  }
0x20: {  	[sflag:s8] =	ssyncset.s32 @!p0 $0xFFFFF086;
	s6 =	sadd.s32 @!p0 s3, s7;
	s7 =	simm.s32 @!p0 $0x108  }
0x21: {  	s3 =	sadd.s32 s3, s9;
	s6 =	sadd.s32 @!p0 $0x88, s6;
	s7 =	simm.s32 @p2 $0x1082  }
0x22: {  	[simem:s7], [sflag:s8] =	dma.local @!p0 [hbm:s6], $0xF7A  }
0x23: {  	s9 =	sor.u32 $0xD0000000, s2;
	s6 =	simm.s32 $0x108;
	_ =	swait.ge @!p0 [sflag:s8], $0x0  }
0x24: {  	s3 =	sadd.s32 $0x88, s3;
	s6 =	simm.s32 @!p1 $0x1082;
	[sflag:s4] =	ssyncset.s32 $0xFFFFF086  }
0x25: {  	[simem:s6], [sflag:s4] =	dma.local [hbm:s3], $0xF7A  }
0x26: {  	[smem:$0x3F9E] =	sst s1;
	(tag) =	ssettag s2;
	_ =	strace s9  }
0x27: {  	s1 =	sld [smem:$0x3FAE]  }
0x28: {  	s2 =	sld [smem:$0x3FAF]  }
0x29: {  	s4 =	sld [smem:$0x3FB1]  }
0x2a: {  	p0 =	seq.s32 s5, $0x0;
	s5 =	sld [smem:$0x3FB2]  }
0x2b: {  	s6 =	sld [smem:$0x3FB3]  }
0x2c: {  	s7 =	sld [smem:$0x3FB4]  }
0x2d: {  	s3 =	simm.s32 $0x108;
	s8 =	sld [smem:$0x3FB5]  }
0x2e: {  	s3 =	simm.s32 @!p0 $0x1082;
	s9 =	sld [smem:$0x3FB6]  }
0x2f: {  	lr =	sadd.s32 s0, s3;
	s0 =	sld [smem:$0x3FAD]  }
0x30: {  	s3 =	sld [smem:$0x3FB0]  }
0x31: {  	[smem:$0x3FB9] =	sst s10  }
0x32: {  	s10 =	sld [smem:$0x3FB7];
	_ =	sdelay $0x3  }
0x33: {  	p0 =	seq.s32 s10, $0x1;
	s10 =	sld [smem:$0x3FB9];
	_ =	sdelay $0x3  }
0x34: {  	[smem:$0x3FB9] =	sst s10  }
0x35: {  	s10 =	sld [smem:$0x3FB8];
	_ =	sdelay $0x3  }
0x36: {  	p1 =	seq.s32 s10, $0x1;
	s10 =	sld [smem:$0x3FB9];
	_ =	sdelay $0x3  }
0x37: {  	[smem:$0x3FB9] =	sst s10  }
0x38: {  	s10 =	sld [smem:$0x3FBA]  }
0x39: {  	_ = 	snop;
	(pc) =	sbr.ind lr, $3  }
0x3a: {  	_ = 	snop  }
0x3b: {  	_ = 	snop  }
0x3c: {  	p2 =	seq.s32 s10, $0x1;
	s10 =	sld [smem:$0x3FB9]  }
0x3d: {  	_ =	shalt  }
0x3e: {  	_ =	shalt  }
0x3f: {  	_ =	shalt  }
0x40: {  	_ =	shalt  }
0x41: {  	_ =	shalt  }
0x42: {  	_ =	shalt  }
0x43: {  	_ =	shalt  }
0x44: {  	_ =	shalt  }
0x45: {  	_ =	shalt  }
0x46: {  	_ =	shalt  }
0x47: {  	_ =	shalt  }
0x48: {  	_ =	shalt  }
0x49: {  	_ =	shalt  }
0x4a: {  	_ =	shalt  }
0x4b: {  	_ =	shalt  }
0x4c: {  	_ =	shalt  }
0x4d: {  	_ =	shalt  }
0x4e: {  	_ =	shalt  }
0x4f: {  	_ =	shalt  }
0x50: {  	_ =	shalt  }
0x51: {  	_ =	shalt  }
0x52: {  	_ =	shalt  }
0x53: {  	_ =	shalt  }
0x54: {  	_ =	shalt  }
0x55: {  	_ =	shalt  }
0x56: {  	_ =	shalt  }
0x57: {  	_ =	shalt  }
0x58: {  	_ =	shalt  }
0x59: {  	_ =	shalt  }
0x5a: {  	_ =	shalt  }
0x5b: {  	_ =	shalt  }
0x5c: {  	_ =	shalt  }
0x5d: {  	_ =	shalt  }
0x5e: {  	_ =	shalt  }
0x5f: {  	_ =	shalt  }
0x60: {  	_ =	shalt  }
0x61: {  	_ =	shalt  }
0x62: {  	_ =	shalt  }
0x63: {  	_ =	shalt  }
0x64: {  	_ =	shalt  }
0x65: {  	_ =	shalt  }
0x66: {  	_ =	shalt  }
0x67: {  	_ =	shalt  }
0x68: {  	_ =	shalt  }
0x69: {  	_ =	shalt  }
0x6a: {  	_ =	shalt  }
0x6b: {  	_ =	shalt  }
0x6c: {  	_ =	shalt  }
0x6d: {  	_ =	shalt  }
0x6e: {  	_ =	shalt  }
0x6f: {  	_ =	shalt  }
0x70: {  	_ =	shalt  }
0x71: {  	_ =	shalt  }
0x72: {  	_ =	shalt  }
0x73: {  	_ =	shalt  }
0x74: {  	_ =	shalt  }
0x75: {  	_ =	shalt  }
0x76: {  	_ =	shalt  }
0x77: {  	_ =	shalt  }
0x78: {  	_ =	shalt  }
0x79: {  	_ =	shalt  }
0x7a: {  	_ =	shalt  }
0x7b: {  	_ =	shalt  }
0x7c: {  	_ =	shalt  }
0x7d: {  	_ =	shalt  }
0x7e: {  	_ =	shalt  }
0x7f: {  	_ =	shalt  }
0x80: {  	_ =	shalt  }
0x81: {  	_ =	shalt  }
0x82: {  	_ =	shalt  }
0x83: {  	_ =	shalt  }
0x84: {  	_ =	shalt  }
0x85: {  	_ =	shalt  }
0x86: {  	_ =	shalt  }
0x87: {  	_ =	shalt  }
.Lfunc_end0:
.L_simem_size_0:
called_computation_lowered:
.L_overlay_start_0:
0x88: {  	s2 =	sld [smem:$0x3FD9]  }
0x89: {  	s3 =	sld [smem:$0x3FFE];
	_ =	sdelay $0x1  }
0x8a: {  	s1 =	srdreg.scid  }
0x8b: {  	s0 =	sand.u32 $0x1, s1  }
0x8c: {  	s17 =	sshll.u32 s0, $0xA;
	s2 =	sadd.s32 s3, s2  }
0x8d: {  	s2 =	sadd.s32 s2, s17  }
0x8e: {  	[smem:$0x3FC5] =	sst s2  }
0x8f: {  	_ = 	snop  }
0x90: {  	s2 =	sld [smem:$0x3FD0];
	(tm) =	ssettm $0x1  }
0x91: {  	s18 =	sld [smem:$0x3FFB];
	_ =	sdelay $0x3  }
0x92: {  	_ =	strace s18  }
0x93: {  	s3 =	sld [smem:$0x3FFC];
	_ =	sdelay $0x3  }
0x94: {  	_ =	strace s3  }
0x95: {  	s3 =	sld [smem:$0x3FFD];
	_ =	sdelay $0x3  }
0x96: {  	_ =	strace s3  }
0x97: {  	_ =	strace $0x8FFFFFFF  }
0x98: {  	s19 =	sld [smem:$0x3FDB];
	_ =	sdelay $0x1  }
0x99: {  	s4 =	simm.s32 $_scs_section_size  }
0x9a: {  	s5 =	simm.s32 $_size__tile_overlayer_lowered;
	s6 =	simm.s32 $_tile_overlayer_lowered  }
0x9b: {  	s22 =	simm.s32 $0x1BFF;
	s21 =	sshll.u32 s6, $0x1;
	s3 =	sadd.s32 s4, s19  }
0x9c: {  	s7 =	simm.s32 $0x0;
	s20 =	sshll.u32 s5, $0x1;
	s5 =	sadd.s32 s21, s3  }
0x9d: {  	[timem:s7], [sflag:s22] =	dma.local [hbm:s5], s20  }
0x9e: {  	_ =	swait.ge [sflag:s22], s20  }
0x9f: {  	s4 =	ssub.s32 $0x0, s20;
	[sflag:s22] =	ssyncset.done $0x0  }
0xa0: {  	[sflag:s22] =	ssyncadd.s32 s4;
	_ =	sdelay $0x1  }
0xa1: {  	s23 =	simm.s32 $0x1B8B  }
0xa2: {  	_ =	swait.ge [sflag:s23], $0x1  }
0xa3: {  	[sflag:s23] =	ssyncset.done $0x0  }
0xa4: {  	s25 =	simm.s32 $0x1B8E;
	s24 =	sld [smem:$0x3FFE];
	[sflag:s23] =	ssyncadd.s32 $0xFFFFFFFF  }
0xa5: {  	s26 =	simm.s32 $execute0_lowered;
	[smem:$0x3FD2] =	sst s25  }
0xa6: {  	s5 =	sshll.u32 s26, $0x1;
	_ =	strace $0x80000046;
	[dreg:$0x1] =	wrdreg $0xFFFFFFFF  }
0xa7: {  	s28 =	simm.s32 $_size_execute0_lowered;
	s3 =	sadd.s32 s3, s5;
	[dreg:$0x0] =	wrdreg $0x0  }
0xa8: {  	s5 =	sshll.u32 s28, $0x1;
	[dreg:$0x2] =	wrdreg s3  }
0xa9: {  	[dreg:$0x3] =	wrdreg s5  }
0xaa: {  	[dreg:$0x4] =	wrdreg $0xC0  }
0xab: {  	_ =	task [dreg:s7], $0x5FFFF  }
0xac: {  	[dreg:$0x1] =	wrdreg $0xFFFFFFFF  }
0xad: {  	[dreg:$0x0] =	wrdreg $0x60  }
0xae: {  	[dreg:$0x2] =	wrdreg s24  }
0xaf: {  	[dreg:$0x3] =	wrdreg s2  }
0xb0: {  	[dreg:$0x4] =	wrdreg $0x9  }
0xb1: {  	_ =	task.clear_ibuf [dreg:s7], $0x5FFFF;
	_ =	strace $0x90000046  }
0xb2: {  	s29 =	simm.s32 $0x9;
	_ =	strace $0x80000048  }
0xb3: {  	_ =	swait.ge [sflag:s29], $0x1  }
0xb4: {  	[sflag:s29] =	ssyncadd.s32 $0xFFFFFFFF  }
0xb5: {  	_ =	strace $0x90000048  }
0xb6: {  	_ =	sfence  }
0xb7: {  	s30 =	sld [smem:$0x0];
	_ =	sdelay $0x2  }
0xb8: {  	s31 =	sshll.u32 s1, $0xD;
	s1 =	sshrl.u32 s1, $0x2  }
0xb9: {  	s3 =	sand.u32 $0x4000, s31;
	s1 =	sadd.s32 s1, s30  }
0xba: {  	s0 =	sor.u32 s3, s0;
	s1 =	sshll.u32 s1, $0x11  }
0xbb: {  	s0 =	sor.u32 s1, s0  }
0xbc: {  	s0 =	sadd.s32 $0x8F2B, s0  }
0xbd: {  	[sflag:s0] =	ssyncadd.remote.s32 $0x1  }
0xbe: {  	_ =	sfence.sel $0xFFFF  }
0xbf: {  	[dreg:$0x0] =	wrdreg $0xFFFFFFFF;
	(pc) =	sbr.abs _section_cstart, $3  }
0xc0: {  	[dreg:$0x1] =	wrdreg $0xFFFFFFFF  }
0xc1: {  	_ =	task.clear_ibuf [dreg:s7], $0x2FFFF;
	_ =	strace $0x9FFFFFFF  }
0xc2: {  	(tm) =	ssettm $0x7FFFFFFF  }
0xc3: {  	_ =	shalt  }
tec
execute0_lowered:
.L_overlay_start_1:
0x0: {  	(tag) =	ssettag $0x1  }
0x1: {  	s1 =	stileid.u32  }
0x2: {  	p0 =	sgt.u32 s1, $0xD  }
.Ltmp0:
0x3: {  	_ = 	snop;
	(pc) =	sbr.rel @p0 .LBB2_16-.Ltmp0, $4  }
0x4: {  	_ = 	snop  }
0x5: {  	s5 =	rddreg [dreg:$0x0];
	s2 =	simm.s32 $0x0  }
0x6: {  	[smem:$0x7FF] =	sst s2  }
0x7: {  	s6 =	rddreg [dreg:$0x1];
	_ =	strace $0x80000047  }
0x8: {  	s3 =	srdreg.scid  }
0x9: {  	s29 =	sshll.u32 s1, $0x1;
	s7 =	sand.u32 $0x1, s3  }
0xa: {  	s3 =	sor.u32 s7, s29  }
0xb: {  	s9 =	sadd.s32 $0x600, s5;
	s4 =	smul.u32 $0x25, s3  }
0xc: {  	s13 =	simm.s32 $0x9A80;
	s14 =	simm.s32 $0x9C80;
	s15 =	simm.s32 $0x800  }
0xd: {  	s16 =	simm.s32 $0x3000;
	s17 =	simm.s32 $0x3800;
	s4 =	sshrl.u32 s4, $0x8  }
0xe: {  	s18 =	simm.s32 $0x1;
	s19 =	simm.s32 $0x7A80;
	s8 =	smul.u32 $0x7, s4  }
0xf: {  	s20 =	simm.s32 $0x2;
	s21 =	simm.s32 $0x0;
	s7 =	ssub.s32 $0x2, s7  }
0x10: {  	s31 =	sshrl.u32 s7, $0x1;
	s4 =	smin.u32 s4, $0x3;
	s3 =	ssub.s32 s3, s8  }
0x11: {  	s30 =	smul.u32 $0xE000, s4;
	s4 =	sadd.s32 $0x7800, s5;
	s3 =	sand.u32 $0xFF, s3  }
0x12: {  	s5 =	sadd.s32 $0x7600, s5;
	s10 =	sshll.u32 s3, $0x5;
	s11 =	sshll.u32 s3, $0xD  }
0x13: {  	p0 =	sne.s32 s3, $0x0;
	s12 =	smin.u32 s10, $0xB8;
	s10 =	smax.u32 s10, $0x8  }
0x14: {  	s11 =	sadd.s32 s11, s30;
	s12 =	sshll.u32 s12, $0x8;
	s10 =	sshll.u32 s10, $0x8  }
0x15: {  	s11 =	sshrl.u32 s11, $0x3;
	s12 =	sadd.s32 s12, s30;
	s8 =	sadd.s32 s10, s30  }
0x16: {  	s6 =	sadd.s32 s6, s11;
	s12 =	sshrl.u32 s12, $0x3;
	s8 =	sadd.s32 $0xFFFFF800, s8  }
0x17: {  	s10 =	ssub.s32 s7, s31;
	s12 =	sadd.s32 s9, s12;
	s8 =	sshrl.u32 s8, $0x3  }
0x18: {  	s10 =	smax.u32 s10, $0x1;
	s7 =	sadd.s32 $0x400, s12;
	s8 =	sadd.s32 s9, s8  }
0x19: {  	v0 =	vimm.f32 $0.0e+00;
	v1 =	vlaneseq.u32;
	s9 =	sadd.s32 s9, s11;
	s11 =	sshll.u32 s3, $0xC;
	s12 =	smul.u32 $0x7000, s3  }
.LBB2_2:
0x1a: {  	[tilespmem:s13], [sflag:$0x1] =	stream.linear.gather [hbm4b:s4+s2], $0x200, $0x38;
	[tilespmem:$0x9D00] =	vst v63  }
0x1b: {  	_ = 	snop  }
0x1c: {  	[tilespmem:s14], [sflag:$0x1] =	stream.linear.gather [hbm4b:s5+s2], $0x80, $0x38;
	[tilespmem:$0x9D00] =	vst v63  }
0x1d: {  	_ = 	snop  }
0x1e: {  	[tilespmem:s15], [sflag:$0x1] =	stream.linear.gather [hbm4b:s9+s2], $0x2000, $0x38;
	[tilespmem:$0x9D00] =	vst v63  }
0x1f: {  	_ = 	snop  }
0x20: {  	[tilespmem:s16], [sflag:$0x1] =	stream.linear.gather [hbm4b:s8+s2], $0x800, $0x38;
	[tilespmem:$0x9D00] =	vst v63  }
0x21: {  	_ = 	snop  }
0x22: {  	[tilespmem:s17], [sflag:$0x1] =	stream.linear.gather [hbm4b:s7+s2], $0x800, $0x38;
	[tilespmem:$0x9D00] =	vst v63  }
0x23: {  	_ =	swait.ge [sflag:s18], $0x200  }
0x24: {  	[sflag:s18] =	ssyncset.done $0x0  }
0x25: {  	[sflag:s18] =	ssyncadd.s32 $0xFFFFFE00  }
0x26: {  	_ =	swait.ge [sflag:s18], $0x80  }
0x27: {  	[sflag:s18] =	ssyncset.done $0x0  }
0x28: {  	[sflag:s18] =	ssyncadd.s32 $0xFFFFFF80  }
0x29: {  	_ =	swait.ge [sflag:s18], $0x2000  }
0x2a: {  	[sflag:s18] =	ssyncset.done $0x0  }
0x2b: {  	[sflag:s18] =	ssyncadd.s32 $0xFFFFE000  }
0x2c: {  	_ =	swait.ge [sflag:s18], $0x800  }
.Ltmp1:
0x2d: {  	[sflag:s18] =	ssyncset.done $0x0;
	(pc) =	sbr.rel @!p0 .LBB2_3-.Ltmp1, $4  }
0x2e: {  	[sflag:s18] =	ssyncadd.s32 $0xFFFFF800  }
0x2f: {  	_ =	swait.ge [sflag:s18], $0x800  }
0x30: {  	[sflag:s18] =	ssyncset.done $0x0  }
0x31: {  	[sflag:s18] =	ssyncadd.s32 $0xFFFFF800  }
0x32: {  	v2 =	vld [tilespmem:$0x3380]  }
0x33: {  	v3 =	vld [tilespmem:$0x3390]  }
0x34: {  	v4 =	vld [tilespmem:$0x33A0]  }
0x35: {  	v5 =	vld [tilespmem:$0x33B0]  }
0x36: {  	v6 =	vld [tilespmem:$0x33C0]  }
0x37: {  	v59 =	vld [tilespmem:$0x33F0];
	[tilespmem:$0x380] =	vst v2  }
0x38: {  	v60 =	vld [tilespmem:$0x3780];
	[tilespmem:$0x390] =	vst v3  }
0x39: {  	v2 =	vld [tilespmem:$0x33D0];
	[tilespmem:$0x3A0] =	vst v4  }
0x3a: {  	v3 =	vld [tilespmem:$0x33E0];
	[tilespmem:$0x3B0] =	vst v5  }
0x3b: {  	v61 =	vld [tilespmem:$0x3790];
	[tilespmem:$0x3C0] =	vst v6  }
0x3c: {  	v62 =	vld [tilespmem:$0x37C0];
	[tilespmem:$0x3F0] =	vst v59  }
0x3d: {  	v63 =	vld [tilespmem:$0x37D0];
	[tilespmem:$0x780] =	vst v60  }
0x3e: {  	[tilespmem:$0x3D0] =	vst v2;
	v2 =	vld [tilespmem:$0x37A0]  }
0x3f: {  	p1 =	sgt.u32 s3, $0x5;
	[tilespmem:$0x3E0] =	vst v3;
	v3 =	vld [tilespmem:$0x37B0]  }
.Ltmp2:
0x40: {  	[tilespmem:$0x790] =	vst v61;
	(pc) =	sbr.rel @!p1 .LBB2_5-.Ltmp2, $4  }
0x41: {  	[tilespmem:$0x7C0] =	vst v62  }
0x42: {  	[tilespmem:$0x7D0] =	vst v63  }
0x43: {  	[tilespmem:$0x7A0] =	vst v2  }
0x44: {  	[tilespmem:$0x7B0] =	vst v3  }
0x45: {  	p1 =	sne.s32 s3, $0x6  }
0x46: {  	v2 =	vimm.f32 @!p1 $0.0e+00  }
0x47: {  	[tilespmem:$0x2800] =	vst @!p1 v2  }
0x48: {  	[tilespmem:$0x2810] =	vst @!p1 v2  }
0x49: {  	[tilespmem:$0x2820] =	vst @!p1 v2  }
0x4a: {  	[tilespmem:$0x2830] =	vst @!p1 v2  }
0x4b: {  	[tilespmem:$0x2840] =	vst @!p1 v2  }
0x4c: {  	[tilespmem:$0x2850] =	vst @!p1 v2  }
0x4d: {  	[tilespmem:$0x2860] =	vst @!p1 v2  }
0x4e: {  	[tilespmem:$0x2870] =	vst @!p1 v2  }
0x4f: {  	[tilespmem:$0x2C00] =	vst @!p1 v2  }
.Ltmp3:
0x50: {  	[tilespmem:$0x2C10] =	vst @!p1 v2;
	(pc) =	sbr.rel .LBB2_9-.Ltmp3, $4  }
0x51: {  	[tilespmem:$0x2C20] =	vst @!p1 v2  }
0x52: {  	[tilespmem:$0x2C30] =	vst @!p1 v2  }
0x53: {  	[tilespmem:$0x2C40] =	vst @!p1 v2  }
0x54: {  	[tilespmem:$0x2C50] =	vst @!p1 v2  }
.LBB2_3:
0x55: {  	[tilespmem:$0x380] =	vst v0  }
0x56: {  	[tilespmem:$0x390] =	vst v0  }
0x57: {  	[tilespmem:$0x3A0] =	vst v0  }
0x58: {  	[tilespmem:$0x3B0] =	vst v0  }
0x59: {  	[tilespmem:$0x3C0] =	vst v0  }
0x5a: {  	[tilespmem:$0x3D0] =	vst v0  }
0x5b: {  	[tilespmem:$0x3E0] =	vst v0  }
0x5c: {  	[tilespmem:$0x3F0] =	vst v0  }
0x5d: {  	[tilespmem:$0x780] =	vst v0  }
0x5e: {  	[tilespmem:$0x790] =	vst v0  }
0x5f: {  	[tilespmem:$0x7A0] =	vst v0  }
0x60: {  	[tilespmem:$0x7B0] =	vst v0  }
0x61: {  	[tilespmem:$0x7C0] =	vst v0  }
0x62: {  	[tilespmem:$0x7D0] =	vst v0  }
.LBB2_5:
0x63: {  	s22 =	simm.s32 $0x0  }
0x64: {  	s23 =	sand.u32 $0x70, s22;
	s24 =	sand.u32 $0x400, s22  }
0x65: {  	s23 =	sor.u32 s23, s24  }
0x66: {  	s24 =	simm.s32 $0x10;
	v2 =	vld [tilespmem:s23+$0x3800]  }
.LBB2_6:
0x67: {  	p1 =	seq.s32 s24, $0xD0  }
.Ltmp4:
0x68: {  	_ = 	snop;
	(pc) =	sbr.rel @!p1 .LBB2_6-.Ltmp4, $4  }
0x69: {  	s22 =	sadd.s32 $0x80, s22  }
0x6a: {  	s25 =	sand.u32 $0x70, s24;
	s26 =	sand.u32 $0x400, s22  }
0x6b: {  	[tilespmem:s23+$0x2800] =	vst v2;
	s23 =	sor.u32 s25, s26  }
0x6c: {  	s24 =	sadd.s32 $0x10, s24;
	v2 =	vld [tilespmem:s23+$0x3800]  }
0x6d: {  	_ =	sdelay $0x3  }
0x6e: {  	[tilespmem:s23+$0x2800] =	vst v2  }
.LBB2_9:
0x6f: {  	v2 =	vld [tilespmem:$0x9B60]  }
0x70: {  	v3 =	vld [tilespmem:$0x9B70]  }
0x71: {  	v4 =	vld [tilespmem:$0x9B80]  }
0x72: {  	v5 =	vld [tilespmem:$0x9B90]  }
0x73: {  	v6 =	vld [tilespmem:$0x9BA0]  }
0x74: {  	v8 =	vld [tilespmem:$0x9BB0]  }
0x75: {  	v9 =	vld [tilespmem:$0x9BC0]  }
0x76: {  	v10 =	vld [tilespmem:$0x9BD0]  }
0x77: {  	v11 =	vld [tilespmem:$0x9BE0]  }
0x78: {  	v12 =	vld [tilespmem:$0x9BF0]  }
0x79: {  	v13 =	vld [tilespmem:$0x9C00]  }
0x7a: {  	v14 =	vld [tilespmem:$0x9C10]  }
0x7b: {  	v15 =	vld [tilespmem:$0x9C20]  }
0x7c: {  	v7 =	vld [tilespmem:$0x9C30]  }
0x7d: {  	v16 =	vld [tilespmem:$0x9A80]  }
0x7e: {  	v17 =	vld [tilespmem:$0x9A90]  }
0x7f: {  	v18 =	vld [tilespmem:$0x9AA0]  }
0x80: {  	v19 =	vld [tilespmem:$0x9AB0];
	s22 =	simm.s32 $0x380  }
0x81: {  	v20 =	vld [tilespmem:$0x9AC0];
	s23 =	simm.s32 $0x700;
	s25 =	sadd.s32 $0x380, s11;
	s24 =	simm.f32 $1.000000000e+00  }
0x82: {  	v21 =	vld [tilespmem:$0x9AD0];
	[tilespmem:$0x5E00] =	vst v0;
	s22 =	sand.u32 $0x380, s22;
	p1 =	seq.s32 s25, $0x7380;
	s23 =	sand.u32 $0x7800, s23  }
0x83: {  	v22 =	vld [tilespmem:$0x9AE0];
	[tilespmem:$0x7A10] =	vst v0;
	p2 =	seq.s32 s25, $0x400;
	s24 =	simm.s32 @!p1 $0x0;
	s28 =	sor.u32 s22, s23;
	v16 =	vsub.f32 v16, v2  }
0x84: {  	s24 =	simm.s32 @p2 $0x3F800000;
	v24 =	vld [tilespmem:s28+$0x0]  }
0x85: {  	v23 =	vld [tilespmem:$0x9AF0];
	v26 =	vmul.f32 s24, v16  }
0x86: {  	v25 =	vld [tilespmem:$0x9B00]  }
0x87: {  	v27 =	vld [tilespmem:$0x9B10];
	v26 =	vadd.f32 v26, v2  }
0x88: {  	v28 =	vld [tilespmem:$0x9B20]  }
0x89: {  	v29 =	vld [tilespmem:$0x9B30];
	v24 =	vmul.f32 v24, v26  }
0x8a: {  	v30 =	vld [tilespmem:$0x9B40];
	s23 =	simm.s32 $0x4070  }
0x8b: {  	v31 =	vld [tilespmem:$0x9B50];
	v17 =	vsub.f32 v17, v3;
	[tilespmem:s23+$0xFFFFFF90] =	vst v24  }
0x8c: {  	v24 =	vld [tilespmem:s28+$0x10]  }
0x8d: {  	v26 =	vmul.f32 s24, v17;
	_ =	sdelay $0x1  }
0x8e: {  	v26 =	vadd.f32 v26, v3;
	_ =	sdelay $0x1  }
0x8f: {  	v24 =	vmul.f32 v24, v26;
	_ =	sdelay $0x1  }
0x90: {  	v18 =	vsub.f32 v18, v4;
	[tilespmem:s23+$0xFFFFFFA0] =	vst v24  }
0x91: {  	v24 =	vld [tilespmem:s28+$0x20]  }
0x92: {  	v26 =	vmul.f32 s24, v18;
	_ =	sdelay $0x1  }
0x93: {  	v26 =	vadd.f32 v26, v4;
	_ =	sdelay $0x1  }
0x94: {  	v24 =	vmul.f32 v24, v26;
	_ =	sdelay $0x1  }
0x95: {  	v19 =	vsub.f32 v19, v5;
	[tilespmem:s23+$0xFFFFFFB0] =	vst v24  }
0x96: {  	v24 =	vld [tilespmem:s28+$0x30]  }
0x97: {  	v26 =	vmul.f32 s24, v19;
	_ =	sdelay $0x1  }
0x98: {  	v26 =	vadd.f32 v26, v5;
	_ =	sdelay $0x1  }
0x99: {  	v24 =	vmul.f32 v24, v26;
	_ =	sdelay $0x1  }
0x9a: {  	v20 =	vsub.f32 v20, v6;
	[tilespmem:s23+$0xFFFFFFC0] =	vst v24  }
0x9b: {  	v24 =	vld [tilespmem:s28+$0x40]  }
0x9c: {  	v26 =	vmul.f32 s24, v20;
	_ =	sdelay $0x1  }
0x9d: {  	v26 =	vadd.f32 v26, v6;
	_ =	sdelay $0x1  }
0x9e: {  	v24 =	vmul.f32 v24, v26;
	_ =	sdelay $0x1  }
0x9f: {  	v21 =	vsub.f32 v21, v8;
	[tilespmem:s23+$0xFFFFFFD0] =	vst v24  }
0xa0: {  	v24 =	vld [tilespmem:s28+$0x50]  }
0xa1: {  	v26 =	vmul.f32 s24, v21;
	_ =	sdelay $0x1  }
0xa2: {  	v26 =	vadd.f32 v26, v8;
	_ =	sdelay $0x1  }
0xa3: {  	v24 =	vmul.f32 v24, v26;
	_ =	sdelay $0x1  }
0xa4: {  	v22 =	vsub.f32 v22, v9;
	[tilespmem:s23+$0xFFFFFFE0] =	vst v24  }
0xa5: {  	v24 =	vld [tilespmem:s28+$0x60]  }
0xa6: {  	v26 =	vmul.f32 s24, v22;
	_ =	sdelay $0x1  }
0xa7: {  	v26 =	vadd.f32 v26, v9;
	_ =	sdelay $0x1  }
0xa8: {  	v24 =	vmul.f32 v24, v26;
	_ =	sdelay $0x1  }
0xa9: {  	v23 =	vsub.f32 v23, v10;
	[tilespmem:s23+$0xFFFFFFF0] =	vst v24  }
0xaa: {  	v24 =	vld [tilespmem:s28+$0x70]  }
0xab: {  	v26 =	vmul.f32 s24, v23;
	_ =	sdelay $0x1  }
0xac: {  	v26 =	vadd.f32 v26, v10;
	_ =	sdelay $0x1  }
0xad: {  	v26 =	vmul.f32 v24, v26;
	_ =	sdelay $0x1  }
0xae: {  	v24 =	vsub.f32 v25, v11;
	[tilespmem:s23+$0x0] =	vst v26  }
0xaf: {  	v25 =	vld [tilespmem:s28+$0x400]  }
0xb0: {  	v26 =	vmul.f32 s24, v24;
	_ =	sdelay $0x1  }
0xb1: {  	v26 =	vadd.f32 v26, v11;
	_ =	sdelay $0x1  }
0xb2: {  	s22 =	simm.s32 $0x0;
	v26 =	vmul.f32 v25, v26  }
0xb3: {  	s26 =	sand.u32 $0x3FE0, s22  }
0xb4: {  	v25 =	vsub.f32 v27, v12;
	[tilespmem:s26+$0x4080] =	vst v26  }
0xb5: {  	v26 =	vld [tilespmem:s28+$0x410]  }
0xb6: {  	v27 =	vmul.f32 s24, v25;
	_ =	sdelay $0x1  }
0xb7: {  	v27 =	vadd.f32 v27, v12;
	_ =	sdelay $0x1  }
0xb8: {  	v27 =	vmul.f32 v26, v27;
	_ =	sdelay $0x1  }
0xb9: {  	v26 =	vsub.f32 v28, v13;
	[tilespmem:s23+$0x20] =	vst v27  }
0xba: {  	v27 =	vld [tilespmem:s28+$0x420]  }
0xbb: {  	v28 =	vmul.f32 s24, v26;
	_ =	sdelay $0x1  }
0xbc: {  	v28 =	vadd.f32 v28, v13;
	_ =	sdelay $0x1  }
0xbd: {  	v28 =	vmul.f32 v27, v28;
	_ =	sdelay $0x1  }
0xbe: {  	v27 =	vsub.f32 v29, v14;
	[tilespmem:s23+$0x30] =	vst v28  }
0xbf: {  	v28 =	vld [tilespmem:s28+$0x430]  }
0xc0: {  	v29 =	vmul.f32 s24, v27;
	_ =	sdelay $0x1  }
0xc1: {  	v29 =	vadd.f32 v29, v14;
	_ =	sdelay $0x1  }
0xc2: {  	v29 =	vmul.f32 v28, v29;
	_ =	sdelay $0x1  }
0xc3: {  	v28 =	vsub.f32 v30, v15;
	[tilespmem:s23+$0x40] =	vst v29  }
0xc4: {  	v29 =	vld [tilespmem:s28+$0x440]  }
0xc5: {  	v30 =	vmul.f32 s24, v28;
	_ =	sdelay $0x1  }
0xc6: {  	v30 =	vadd.f32 v30, v15;
	_ =	sdelay $0x1  }
0xc7: {  	v30 =	vmul.f32 v29, v30;
	_ =	sdelay $0x1  }
0xc8: {  	v29 =	vsub.f32 v31, v7;
	[tilespmem:s23+$0x50] =	vst v30  }
0xc9: {  	v30 =	vld [tilespmem:s28+$0x450]  }
0xca: {  	v31 =	vmul.f32 s24, v29  }
0xcb: {  	s0 =	simm.s32 $0x400  }
0xcc: {  	s31 =	simm.s32 $0x480;
	s25 =	simm.s32 $0xE0;
	s26 =	simm.s32 $0x800;
	v31 =	vadd.f32 v31, v7  }
0xcd: {  	s29 =	sand.u32 $0x380, s0;
	s30 =	sand.u32 $0x7800, s26;
	s28 =	sadd.s32 $0x400, s11  }
0xce: {  	s24 =	simm.s32 $0x4150;
	p2 =	seq.s32 s28, $0x400;
	p3 =	seq.s32 s28, $0x7380;
	v30 =	vmul.f32 v30, v31  }
.LBB2_10:
0xcf: {  	s0 =	simm.f32 $1.000000000e+00;
	s30 =	sor.u32 s29, s30;
	s29 =	smov.u32 s31  }
0xd0: {  	[tilespmem:s23+$0x60] =	vst v30;
	s28 =	sadd.s32 $0x80, s31;
	s23 =	smov.u32 s24;
	s0 =	simm.s32 @!p3 $0x0  }
0xd1: {  	p1 =	sne.s32 s31, $0x1400;
	s0 =	simm.s32 @p2 $0x3F800000;
	v30 =	vld [tilespmem:s30+$0x0]  }
0xd2: {  	v31 =	vmul.f32 s0, v16;
	v33 =	vmul.f32 s0, v17  }
0xd3: {  	v34 =	vmul.f32 s0, v18;
	v35 =	vmul.f32 s0, v19  }
0xd4: {  	v36 =	vmul.f32 s0, v20;
	v37 =	vmul.f32 s0, v21;
	v31 =	vadd.f32 v31, v2  }
0xd5: {  	v38 =	vmul.f32 s0, v22;
	v39 =	vmul.f32 s0, v23  }
0xd6: {  	v40 =	vmul.f32 s0, v24;
	v30 =	vmul.f32 v30, v31  }
0xd7: {  	v41 =	vmul.f32 s0, v25;
	v42 =	vmul.f32 s0, v26  }
0xd8: {  	v32 =	vmul.f32 s0, v27;
	v31 =	vmul.f32 s0, v28;
	[tilespmem:s24+$0xFFFFFF90] =	vst v30  }
0xd9: {  	v30 =	vmul.f32 s0, v29;
	v43 =	vld [tilespmem:s30+$0x10];
	_ =	sdelay $0x2  }
0xda: {  	v33 =	vadd.f32 v33, v3;
	_ =	sdelay $0x1  }
0xdb: {  	v33 =	vmul.f32 v43, v33;
	_ =	sdelay $0x1  }
0xdc: {  	[tilespmem:s24+$0xFFFFFFA0] =	vst v33  }
0xdd: {  	v33 =	vld [tilespmem:s30+$0x20];
	_ =	sdelay $0x2  }
0xde: {  	v34 =	vadd.f32 v34, v4;
	_ =	sdelay $0x1  }
0xdf: {  	v33 =	vmul.f32 v33, v34;
	_ =	sdelay $0x1  }
0xe0: {  	[tilespmem:s24+$0xFFFFFFB0] =	vst v33  }
0xe1: {  	v33 =	vld [tilespmem:s30+$0x30];
	_ =	sdelay $0x2  }
0xe2: {  	v34 =	vadd.f32 v35, v5;
	_ =	sdelay $0x1  }
0xe3: {  	v33 =	vmul.f32 v33, v34;
	_ =	sdelay $0x1  }
0xe4: {  	[tilespmem:s24+$0xFFFFFFC0] =	vst v33  }
0xe5: {  	v33 =	vld [tilespmem:s30+$0x40];
	_ =	sdelay $0x2  }
0xe6: {  	v34 =	vadd.f32 v36, v6;
	_ =	sdelay $0x1  }
0xe7: {  	v33 =	vmul.f32 v33, v34;
	_ =	sdelay $0x1  }
0xe8: {  	[tilespmem:s24+$0xFFFFFFD0] =	vst v33  }
0xe9: {  	v33 =	vld [tilespmem:s30+$0x50];
	_ =	sdelay $0x2  }
0xea: {  	v34 =	vadd.f32 v37, v8;
	_ =	sdelay $0x1  }
0xeb: {  	v33 =	vmul.f32 v33, v34;
	_ =	sdelay $0x1  }
0xec: {  	[tilespmem:s24+$0xFFFFFFE0] =	vst v33  }
0xed: {  	v33 =	vld [tilespmem:s30+$0x60];
	_ =	sdelay $0x2  }
0xee: {  	v34 =	vadd.f32 v38, v9;
	_ =	sdelay $0x1  }
0xef: {  	v33 =	vmul.f32 v33, v34;
	_ =	sdelay $0x1  }
0xf0: {  	[tilespmem:s24+$0xFFFFFFF0] =	vst v33  }
0xf1: {  	v33 =	vld [tilespmem:s30+$0x70];
	_ =	sdelay $0x2  }
0xf2: {  	v34 =	vadd.f32 v39, v10;
	_ =	sdelay $0x1  }
0xf3: {  	v33 =	vmul.f32 v33, v34;
	_ =	sdelay $0x1  }
0xf4: {  	[tilespmem:s24+$0x0] =	vst v33  }
0xf5: {  	v33 =	vld [tilespmem:s30+$0x400];
	_ =	sdelay $0x2  }
0xf6: {  	v34 =	vadd.f32 v40, v11;
	_ =	sdelay $0x1  }
0xf7: {  	v33 =	vmul.f32 v33, v34  }
0xf8: {  	s0 =	sand.u32 $0x3FE0, s25  }
0xf9: {  	[tilespmem:s0+$0x4080] =	vst v33  }
0xfa: {  	v33 =	vld [tilespmem:s30+$0x410];
	_ =	sdelay $0x2  }
0xfb: {  	v34 =	vadd.f32 v41, v12;
	_ =	sdelay $0x1  }
0xfc: {  	v33 =	vmul.f32 v33, v34;
	_ =	sdelay $0x1  }
0xfd: {  	[tilespmem:s24+$0x20] =	vst v33  }
0xfe: {  	v33 =	vld [tilespmem:s30+$0x420];
	_ =	sdelay $0x2  }
0xff: {  	v34 =	vadd.f32 v42, v13;
	_ =	sdelay $0x1  }
0x100: {  	v33 =	vmul.f32 v33, v34;
	_ =	sdelay $0x1  }
0x101: {  	[tilespmem:s24+$0x30] =	vst v33  }
0x102: {  	v33 =	vld [tilespmem:s30+$0x430];
	_ =	sdelay $0x2  }
0x103: {  	v32 =	vadd.f32 v32, v14;
	_ =	sdelay $0x1  }
0x104: {  	v32 =	vmul.f32 v33, v32;
	_ =	sdelay $0x1  }
0x105: {  	[tilespmem:s24+$0x40] =	vst v32  }
0x106: {  	v32 =	vld [tilespmem:s30+$0x440];
	_ =	sdelay $0x2  }
0x107: {  	v31 =	vadd.f32 v31, v15;
	_ =	sdelay $0x1  }
0x108: {  	v31 =	vmul.f32 v32, v31;
	_ =	sdelay $0x1  }
0x109: {  	[tilespmem:s24+$0x50] =	vst v31  }
0x10a: {  	v31 =	vld [tilespmem:s30+$0x450];
	_ =	sdelay $0x1  }
.Ltmp5:
0x10b: {  	(pc) =	sbr.rel @p1 .LBB2_10-.Ltmp5, $4  }
0x10c: {  	v30 =	vadd.f32 v30, v7  }
0x10d: {  	s26 =	sadd.s32 $0x100, s26;
	s25 =	sadd.s32 $0xE0, s25;
	s24 =	sadd.s32 $0xE0, s24  }
0x10e: {  	s31 =	smov.u32 s28;
	s0 =	sadd.s32 s29, s11;
	s29 =	sand.u32 $0x380, s29;
	v30 =	vmul.f32 v31, v30  }
0x10f: {  	p2 =	seq.s32 s0, $0x400;
	p3 =	seq.s32 s0, $0x7380;
	s30 =	sand.u32 $0x7800, s26  }
0x110: {  	s26 =	simm.f32 $1.000000000e+00  }
0x111: {  	s28 =	sor.u32 s29, s30;
	[tilespmem:s23+$0x60] =	vst v30;
	s26 =	simm.s32 @!p3 $0x0  }
0x112: {  	v30 =	vld [tilespmem:s28+$0x0];
	s26 =	simm.s32 @p2 $0x3F800000  }
0x113: {  	v31 =	vmul.f32 s26, v16;
	_ =	sdelay $0x1  }
0x114: {  	v31 =	vadd.f32 v31, v2;
	_ =	sdelay $0x1  }
0x115: {  	v30 =	vmul.f32 v30, v31;
	_ =	sdelay $0x1  }
0x116: {  	[tilespmem:s24+$0xFFFFFF90] =	vst v30  }
0x117: {  	v30 =	vld [tilespmem:s28+$0x10]  }
0x118: {  	v31 =	vmul.f32 s26, v17;
	_ =	sdelay $0x1  }
0x119: {  	v31 =	vadd.f32 v31, v3;
	_ =	sdelay $0x1  }
0x11a: {  	v30 =	vmul.f32 v30, v31;
	_ =	sdelay $0x1  }
0x11b: {  	[tilespmem:s24+$0xFFFFFFA0] =	vst v30  }
0x11c: {  	v30 =	vld [tilespmem:s28+$0x20]  }
0x11d: {  	v31 =	vmul.f32 s26, v18;
	_ =	sdelay $0x1  }
0x11e: {  	v31 =	vadd.f32 v31, v4;
	_ =	sdelay $0x1  }
0x11f: {  	v30 =	vmul.f32 v30, v31;
	_ =	sdelay $0x1  }
0x120: {  	[tilespmem:s24+$0xFFFFFFB0] =	vst v30  }
0x121: {  	v30 =	vld [tilespmem:s28+$0x30]  }
0x122: {  	v31 =	vmul.f32 s26, v19;
	_ =	sdelay $0x1  }
0x123: {  	v31 =	vadd.f32 v31, v5;
	_ =	sdelay $0x1  }
0x124: {  	v30 =	vmul.f32 v30, v31;
	_ =	sdelay $0x1  }
0x125: {  	[tilespmem:s24+$0xFFFFFFC0] =	vst v30  }
0x126: {  	v30 =	vld [tilespmem:s28+$0x40]  }
0x127: {  	v31 =	vmul.f32 s26, v20;
	_ =	sdelay $0x1  }
0x128: {  	v31 =	vadd.f32 v31, v6;
	_ =	sdelay $0x1  }
0x129: {  	v30 =	vmul.f32 v30, v31;
	_ =	sdelay $0x1  }
0x12a: {  	[tilespmem:s24+$0xFFFFFFD0] =	vst v30  }
0x12b: {  	v30 =	vld [tilespmem:s28+$0x50]  }
0x12c: {  	v31 =	vmul.f32 s26, v21;
	_ =	sdelay $0x1  }
0x12d: {  	v31 =	vadd.f32 v31, v8;
	_ =	sdelay $0x1  }
0x12e: {  	v30 =	vmul.f32 v30, v31;
	_ =	sdelay $0x1  }
0x12f: {  	[tilespmem:s24+$0xFFFFFFE0] =	vst v30  }
0x130: {  	v30 =	vld [tilespmem:s28+$0x60]  }
0x131: {  	v31 =	vmul.f32 s26, v22;
	_ =	sdelay $0x1  }
0x132: {  	v31 =	vadd.f32 v31, v9;
	_ =	sdelay $0x1  }
0x133: {  	v30 =	vmul.f32 v30, v31;
	_ =	sdelay $0x1  }
0x134: {  	[tilespmem:s24+$0xFFFFFFF0] =	vst v30  }
0x135: {  	v30 =	vld [tilespmem:s28+$0x70]  }
0x136: {  	v31 =	vmul.f32 s26, v23;
	_ =	sdelay $0x1  }
0x137: {  	v31 =	vadd.f32 v31, v10;
	_ =	sdelay $0x1  }
0x138: {  	v30 =	vmul.f32 v30, v31;
	_ =	sdelay $0x1  }
0x139: {  	[tilespmem:s24+$0x0] =	vst v30  }
0x13a: {  	v30 =	vld [tilespmem:s28+$0x400]  }
0x13b: {  	v31 =	vmul.f32 s26, v24;
	_ =	sdelay $0x1  }
0x13c: {  	v31 =	vadd.f32 v31, v11;
	_ =	sdelay $0x1  }
0x13d: {  	v30 =	vmul.f32 v30, v31  }
0x13e: {  	s0 =	sand.u32 $0x3FE0, s25  }
0x13f: {  	[tilespmem:s0+$0x4080] =	vst v30  }
0x140: {  	v30 =	vld [tilespmem:s28+$0x410]  }
0x141: {  	v31 =	vmul.f32 s26, v25;
	_ =	sdelay $0x1  }
0x142: {  	v31 =	vadd.f32 v31, v12;
	_ =	sdelay $0x1  }
0x143: {  	v30 =	vmul.f32 v30, v31;
	_ =	sdelay $0x1  }
0x144: {  	[tilespmem:s24+$0x20] =	vst v30  }
0x145: {  	v30 =	vld [tilespmem:s28+$0x420]  }
0x146: {  	v31 =	vmul.f32 s26, v26;
	_ =	sdelay $0x1  }
0x147: {  	v31 =	vadd.f32 v31, v13;
	_ =	sdelay $0x1  }
0x148: {  	v30 =	vmul.f32 v30, v31;
	_ =	sdelay $0x1  }
0x149: {  	[tilespmem:s24+$0x30] =	vst v30  }
0x14a: {  	v30 =	vld [tilespmem:s28+$0x430]  }
0x14b: {  	v31 =	vmul.f32 s26, v27;
	_ =	sdelay $0x1  }
0x14c: {  	v31 =	vadd.f32 v31, v14;
	_ =	sdelay $0x1  }
0x14d: {  	v30 =	vmul.f32 v30, v31;
	_ =	sdelay $0x1  }
0x14e: {  	[tilespmem:s24+$0x40] =	vst v30  }
0x14f: {  	v30 =	vld [tilespmem:s28+$0x440]  }
0x150: {  	v31 =	vmul.f32 s26, v28;
	_ =	sdelay $0x1  }
0x151: {  	v31 =	vadd.f32 v31, v15;
	_ =	sdelay $0x1  }
0x152: {  	v30 =	vmul.f32 v30, v31;
	_ =	sdelay $0x1  }
0x153: {  	[tilespmem:s24+$0x50] =	vst v30  }
0x154: {  	v30 =	vld [tilespmem:s28+$0x450]  }
0x155: {  	v31 =	vmul.f32 s26, v29;
	_ =	sdelay $0x1  }
0x156: {  	v31 =	vadd.f32 v31, v7;
	_ =	sdelay $0x1  }
0x157: {  	v30 =	vmul.f32 v30, v31;
	_ =	sdelay $0x1  }
0x158: {  	s23 =	simm.s32 $0x4150;
	[tilespmem:s24+$0x60] =	vst v30  }
0x159: {  	v30 =	vld [tilespmem:s23+$0xFFFFFF90]  }
0x15a: {  	v31 =	vld [tilespmem:s23+$0xFFFFFEB0];
	_ =	sdelay $0x1  }
0x15b: {  	v32 =	vld [tilespmem:s23+$0x70];
	_ =	sdelay $0x2  }
0x15c: {  	v30 =	vadd.f32 v30, v31;
	_ =	sdelay $0x1  }
0x15d: {  	v30 =	vadd.f32 v32, v30  }
0x15e: {  	s24 =	simm.s32 $0x5E70  }
0x15f: {  	[tilespmem:s24+$0xFFFFFFA0] =	vst v30  }
0x160: {  	v30 =	vld [tilespmem:s23+$0xFFFFFEC0]  }
0x161: {  	v31 =	vld [tilespmem:s23+$0xFFFFFFA0];
	_ =	sdelay $0x1  }
0x162: {  	v52 =	vld [tilespmem:s23+$0x80];
	_ =	sdelay $0x2  }
0x163: {  	v30 =	vadd.f32 v31, v30;
	_ =	sdelay $0x1  }
0x164: {  	v30 =	vadd.f32 v52, v30;
	_ =	sdelay $0x1  }
0x165: {  	[tilespmem:s24+$0xFFFFFFB0] =	vst v30  }
0x166: {  	s22 =	sand.u32 $0x1FE0, s22;
	v30 =	vld [tilespmem:s23+$0xFFFFFED0]  }
0x167: {  	v31 =	vld [tilespmem:s22+$0x4100];
	_ =	sdelay $0x1  }
0x168: {  	v53 =	vld [tilespmem:s23+$0x90];
	_ =	sdelay $0x2  }
0x169: {  	v30 =	vadd.f32 v31, v30;
	_ =	sdelay $0x1  }
0x16a: {  	v30 =	vadd.f32 v53, v30;
	_ =	sdelay $0x1  }
0x16b: {  	[tilespmem:s24+$0xFFFFFFC0] =	vst v30  }
0x16c: {  	v30 =	vld [tilespmem:s23+$0xFFFFFEE0]  }
0x16d: {  	v31 =	vld [tilespmem:s23+$0xFFFFFFC0];
	_ =	sdelay $0x1  }
0x16e: {  	v54 =	vld [tilespmem:s23+$0xA0];
	_ =	sdelay $0x2  }
0x16f: {  	v30 =	vadd.f32 v31, v30;
	_ =	sdelay $0x1  }
0x170: {  	v30 =	vadd.f32 v54, v30;
	_ =	sdelay $0x1  }
0x171: {  	[tilespmem:s24+$0xFFFFFFD0] =	vst v30  }
0x172: {  	v30 =	vld [tilespmem:s23+$0xFFFFFEF0]  }
0x173: {  	v31 =	vld [tilespmem:s23+$0xFFFFFFD0];
	_ =	sdelay $0x1  }
0x174: {  	v55 =	vld [tilespmem:s22+$0x4200];
	_ =	sdelay $0x2  }
0x175: {  	v30 =	vadd.f32 v31, v30;
	_ =	sdelay $0x1  }
0x176: {  	v30 =	vadd.f32 v55, v30;
	_ =	sdelay $0x1  }
0x177: {  	[tilespmem:s24+$0xFFFFFFE0] =	vst v30  }
0x178: {  	v30 =	vld [tilespmem:s23+$0xFFFFFF00]  }
0x179: {  	v31 =	vld [tilespmem:s23+$0xFFFFFFE0];
	_ =	sdelay $0x1  }
0x17a: {  	v56 =	vld [tilespmem:s23+$0xC0];
	_ =	sdelay $0x2  }
0x17b: {  	v30 =	vadd.f32 v31, v30;
	_ =	sdelay $0x1  }
0x17c: {  	v30 =	vadd.f32 v56, v30;
	_ =	sdelay $0x1  }
0x17d: {  	[tilespmem:s24+$0xFFFFFFF0] =	vst v30  }
0x17e: {  	v30 =	vld [tilespmem:s23+$0xFFFFFF10]  }
0x17f: {  	v31 =	vld [tilespmem:s23+$0xFFFFFFF0];
	_ =	sdelay $0x1  }
0x180: {  	v57 =	vld [tilespmem:s23+$0xD0];
	_ =	sdelay $0x2  }
0x181: {  	v30 =	vadd.f32 v31, v30;
	_ =	sdelay $0x1  }
0x182: {  	v30 =	vadd.f32 v57, v30;
	_ =	sdelay $0x1  }
0x183: {  	[tilespmem:s24+$0x0] =	vst v30  }
0x184: {  	v30 =	vld [tilespmem:s23+$0xFFFFFF20]  }
0x185: {  	v31 =	vld [tilespmem:s23+$0x0];
	_ =	sdelay $0x1  }
0x186: {  	v58 =	vld [tilespmem:s23+$0xE0];
	_ =	sdelay $0x2  }
0x187: {  	v30 =	vadd.f32 v31, v30;
	_ =	sdelay $0x1  }
0x188: {  	v30 =	vadd.f32 v58, v30;
	_ =	sdelay $0x1  }
0x189: {  	[tilespmem:s22+$0x5E80] =	vst v30;
	v30 =	vld [tilespmem:s22+$0x4080]  }
0x18a: {  	v31 =	vld [tilespmem:s23+$0x10];
	_ =	sdelay $0x1  }
0x18b: {  	v59 =	vld [tilespmem:s23+$0xF0];
	_ =	sdelay $0x2  }
0x18c: {  	v30 =	vadd.f32 v31, v30;
	_ =	sdelay $0x1  }
0x18d: {  	v30 =	vadd.f32 v59, v30;
	_ =	sdelay $0x1  }
0x18e: {  	[tilespmem:s24+$0x20] =	vst v30  }
0x18f: {  	v30 =	vld [tilespmem:s23+$0xFFFFFF40]  }
0x190: {  	v31 =	vld [tilespmem:s23+$0x20];
	_ =	sdelay $0x1  }
0x191: {  	v60 =	vld [tilespmem:s23+$0x100];
	_ =	sdelay $0x2  }
0x192: {  	v30 =	vadd.f32 v31, v30;
	_ =	sdelay $0x1  }
0x193: {  	v30 =	vadd.f32 v60, v30;
	_ =	sdelay $0x1  }
0x194: {  	[tilespmem:s24+$0x30] =	vst v30  }
0x195: {  	v30 =	vld [tilespmem:s23+$0xFFFFFF50]  }
0x196: {  	v31 =	vld [tilespmem:s22+$0x4180];
	_ =	sdelay $0x1  }
0x197: {  	v61 =	vld [tilespmem:s23+$0x110];
	_ =	sdelay $0x2  }
0x198: {  	v30 =	vadd.f32 v31, v30;
	_ =	sdelay $0x1  }
0x199: {  	v30 =	vadd.f32 v61, v30;
	_ =	sdelay $0x1  }
0x19a: {  	[tilespmem:s24+$0x40] =	vst v30  }
0x19b: {  	v30 =	vld [tilespmem:s23+$0xFFFFFF60]  }
0x19c: {  	v31 =	vld [tilespmem:s23+$0x40];
	_ =	sdelay $0x1  }
0x19d: {  	v62 =	vld [tilespmem:s23+$0x120];
	_ =	sdelay $0x2  }
0x19e: {  	v30 =	vadd.f32 v31, v30;
	_ =	sdelay $0x1  }
0x19f: {  	v30 =	vadd.f32 v62, v30;
	_ =	sdelay $0x1  }
0x1a0: {  	[tilespmem:s24+$0x50] =	vst v30  }
0x1a1: {  	v31 =	vld [tilespmem:s23+$0xFFFFFF70]  }
0x1a2: {  	v63 =	vld [tilespmem:s23+$0x50];
	_ =	sdelay $0x1  }
0x1a3: {  	v30 =	vld [tilespmem:s22+$0x4280];
	_ =	sdelay $0x2  }
0x1a4: {  	s25 =	simm.s32 $0x4150;
	s26 =	simm.s32 $0xE0;
	s22 =	simm.s32 $0x5E70;
	v31 =	vadd.f32 v63, v31  }
.LBB2_12:
0x1a5: {  	p1 =	sne.s32 s26, $0x1B20;
	s23 =	sadd.s32 $0xE0, s23;
	s24 =	sadd.s32 $0xE0, s24  }
0x1a6: {  	s0 =	smov.u32 s26;
	s26 =	sadd.s32 $0xE0, s26;
	v30 =	vadd.f32 v30, v31;
	_ =	sdelay $0x1  }
0x1a7: {  	[tilespmem:s22+$0x60] =	vst v30  }
0x1a8: {  	v30 =	vld [tilespmem:s25+$0xFFFFFF80]  }
0x1a9: {  	v31 =	vld [tilespmem:s25+$0x60]  }
0x1aa: {  	v32 =	vld [tilespmem:s25+$0x140];
	s25 =	smov.u32 s23;
	_ =	sdelay $0x3  }
0x1ab: {  	v30 =	vadd.f32 v31, v30;
	_ =	sdelay $0x1  }
0x1ac: {  	v30 =	vadd.f32 v32, v30;
	_ =	sdelay $0x1  }
0x1ad: {  	[tilespmem:s22+$0x70] =	vst v30;
	s22 =	smov.u32 s24  }
0x1ae: {  	v30 =	vld [tilespmem:s23+$0xFFFFFF90]  }
0x1af: {  	v31 =	vld [tilespmem:s23+$0xFFFFFEB0];
	_ =	sdelay $0x1  }
0x1b0: {  	v32 =	vld [tilespmem:s23+$0x70];
	_ =	sdelay $0x2  }
0x1b1: {  	v30 =	vadd.f32 v30, v31;
	_ =	sdelay $0x1  }
0x1b2: {  	v30 =	vadd.f32 v32, v30;
	_ =	sdelay $0x1  }
0x1b3: {  	[tilespmem:s24+$0xFFFFFFA0] =	vst v30  }
0x1b4: {  	v30 =	vld [tilespmem:s23+$0xFFFFFEC0]  }
0x1b5: {  	v31 =	vld [tilespmem:s23+$0xFFFFFFA0];
	_ =	sdelay $0x1  }
0x1b6: {  	v32 =	vld [tilespmem:s23+$0x80];
	_ =	sdelay $0x2  }
0x1b7: {  	v30 =	vadd.f32 v31, v30;
	_ =	sdelay $0x1  }
0x1b8: {  	v30 =	vadd.f32 v32, v30;
	_ =	sdelay $0x1  }
0x1b9: {  	[tilespmem:s24+$0xFFFFFFB0] =	vst v30  }
0x1ba: {  	s28 =	sand.u32 $0x1FE0, s0;
	v30 =	vld [tilespmem:s23+$0xFFFFFED0]  }
0x1bb: {  	v31 =	vld [tilespmem:s28+$0x4100];
	_ =	sdelay $0x1  }
0x1bc: {  	v32 =	vld [tilespmem:s23+$0x90];
	_ =	sdelay $0x2  }
0x1bd: {  	v30 =	vadd.f32 v31, v30;
	_ =	sdelay $0x1  }
0x1be: {  	v30 =	vadd.f32 v32, v30;
	_ =	sdelay $0x1  }
0x1bf: {  	[tilespmem:s24+$0xFFFFFFC0] =	vst v30  }
0x1c0: {  	v30 =	vld [tilespmem:s23+$0xFFFFFEE0]  }
0x1c1: {  	v31 =	vld [tilespmem:s23+$0xFFFFFFC0];
	_ =	sdelay $0x1  }
0x1c2: {  	v32 =	vld [tilespmem:s23+$0xA0];
	_ =	sdelay $0x2  }
0x1c3: {  	v30 =	vadd.f32 v31, v30;
	_ =	sdelay $0x1  }
0x1c4: {  	v30 =	vadd.f32 v32, v30;
	_ =	sdelay $0x1  }
0x1c5: {  	[tilespmem:s24+$0xFFFFFFD0] =	vst v30  }
0x1c6: {  	v30 =	vld [tilespmem:s23+$0xFFFFFEF0]  }
0x1c7: {  	v31 =	vld [tilespmem:s23+$0xFFFFFFD0];
	_ =	sdelay $0x1  }
0x1c8: {  	v32 =	vld [tilespmem:s28+$0x4200];
	_ =	sdelay $0x2  }
0x1c9: {  	v30 =	vadd.f32 v31, v30;
	_ =	sdelay $0x1  }
0x1ca: {  	v30 =	vadd.f32 v32, v30;
	_ =	sdelay $0x1  }
0x1cb: {  	[tilespmem:s24+$0xFFFFFFE0] =	vst v30  }
0x1cc: {  	v30 =	vld [tilespmem:s23+$0xFFFFFF00]  }
0x1cd: {  	v31 =	vld [tilespmem:s23+$0xFFFFFFE0];
	_ =	sdelay $0x1  }
0x1ce: {  	v32 =	vld [tilespmem:s23+$0xC0];
	_ =	sdelay $0x2  }
0x1cf: {  	v30 =	vadd.f32 v31, v30;
	_ =	sdelay $0x1  }
0x1d0: {  	v30 =	vadd.f32 v32, v30;
	_ =	sdelay $0x1  }
0x1d1: {  	[tilespmem:s24+$0xFFFFFFF0] =	vst v30  }
0x1d2: {  	v30 =	vld [tilespmem:s23+$0xFFFFFF10]  }
0x1d3: {  	v31 =	vld [tilespmem:s23+$0xFFFFFFF0]  }
0x1d4: {  	v32 =	vld [tilespmem:s23+$0xD0];
	_ =	sdelay $0x3  }
0x1d5: {  	v30 =	vadd.f32 v31, v30;
	_ =	sdelay $0x1  }
0x1d6: {  	v30 =	vadd.f32 v32, v30;
	_ =	sdelay $0x1  }
0x1d7: {  	[tilespmem:s24+$0x0] =	vst v30  }
0x1d8: {  	v30 =	vld [tilespmem:s23+$0xFFFFFF20]  }
0x1d9: {  	v31 =	vld [tilespmem:s23+$0x0];
	_ =	sdelay $0x1  }
0x1da: {  	v32 =	vld [tilespmem:s23+$0xE0];
	_ =	sdelay $0x2  }
0x1db: {  	v30 =	vadd.f32 v31, v30;
	_ =	sdelay $0x1  }
0x1dc: {  	v30 =	vadd.f32 v32, v30;
	_ =	sdelay $0x1  }
0x1dd: {  	[tilespmem:s28+$0x5E80] =	vst v30;
	v30 =	vld [tilespmem:s28+$0x4080]  }
0x1de: {  	v31 =	vld [tilespmem:s23+$0x10]  }
0x1df: {  	v32 =	vld [tilespmem:s23+$0xF0];
	_ =	sdelay $0x3  }
0x1e0: {  	v30 =	vadd.f32 v31, v30;
	_ =	sdelay $0x1  }
0x1e1: {  	v30 =	vadd.f32 v32, v30;
	_ =	sdelay $0x1  }
0x1e2: {  	[tilespmem:s24+$0x20] =	vst v30  }
0x1e3: {  	v30 =	vld [tilespmem:s23+$0xFFFFFF40]  }
0x1e4: {  	v31 =	vld [tilespmem:s23+$0x20]  }
0x1e5: {  	v32 =	vld [tilespmem:s23+$0x100];
	_ =	sdelay $0x3  }
0x1e6: {  	v30 =	vadd.f32 v31, v30;
	_ =	sdelay $0x1  }
0x1e7: {  	v30 =	vadd.f32 v32, v30;
	_ =	sdelay $0x1  }
0x1e8: {  	[tilespmem:s24+$0x30] =	vst v30  }
0x1e9: {  	v30 =	vld [tilespmem:s23+$0xFFFFFF50]  }
0x1ea: {  	v31 =	vld [tilespmem:s28+$0x4180]  }
0x1eb: {  	v32 =	vld [tilespmem:s23+$0x110];
	_ =	sdelay $0x3  }
0x1ec: {  	v30 =	vadd.f32 v31, v30;
	_ =	sdelay $0x1  }
0x1ed: {  	v30 =	vadd.f32 v32, v30;
	_ =	sdelay $0x1  }
0x1ee: {  	[tilespmem:s24+$0x40] =	vst v30  }
0x1ef: {  	v30 =	vld [tilespmem:s23+$0xFFFFFF60]  }
0x1f0: {  	v31 =	vld [tilespmem:s23+$0x40]  }
0x1f1: {  	v32 =	vld [tilespmem:s23+$0x120];
	_ =	sdelay $0x3  }
0x1f2: {  	v30 =	vadd.f32 v31, v30;
	_ =	sdelay $0x1  }
0x1f3: {  	v30 =	vadd.f32 v32, v30;
	_ =	sdelay $0x1  }
0x1f4: {  	[tilespmem:s24+$0x50] =	vst v30  }
0x1f5: {  	v31 =	vld [tilespmem:s23+$0xFFFFFF70]  }
0x1f6: {  	v32 =	vld [tilespmem:s23+$0x50]  }
.Ltmp6:
0x1f7: {  	v30 =	vld [tilespmem:s28+$0x4280];
	(pc) =	sbr.rel @p1 .LBB2_12-.Ltmp6, $2  }
0x1f8: {  	_ =	sdelay $0x2  }
0x1f9: {  	v31 =	vadd.f32 v32, v31  }
0x1fa: {  	_ = 	snop  }
0x1fb: {  	v30 =	vadd.f32 v30, v31;
	_ =	sdelay $0x1  }
0x1fc: {  	[tilespmem:s22+$0x60] =	vst v30  }
0x1fd: {  	v30 =	vld [tilespmem:s25+$0xFFFFFF80]  }
0x1fe: {  	v31 =	vld [tilespmem:s25+$0x60];
	_ =	sdelay $0x1  }
0x1ff: {  	v32 =	vld [tilespmem:s25+$0x140];
	_ =	sdelay $0x2  }
0x200: {  	v30 =	vadd.f32 v31, v30;
	_ =	sdelay $0x1  }
0x201: {  	v30 =	vadd.f32 v32, v30;
	_ =	sdelay $0x1  }
0x202: {  	[tilespmem:s22+$0x70] =	vst v30;
	s22 =	simm.s32 $0x0  }
0x203: {  	v30 =	vld [tilespmem:s22+$0x5E0F]  }
0x204: {  	v31 =	vld [tilespmem:s22+$0x5E10];
	_ =	sdelay $0x1  }
0x205: {  	v43 =	vld [tilespmem:s22+$0x5E11]  }
0x206: {  	s0 =	sadd.s32 $0x0, s12;
	vm0 =	veq.s32 v1, $0x0  }
0x207: {  	s26 =	simm.f32 $1.000000000e+00;
	p1 =	seq.s32 s0, $0x30C80;
	v33 =	vld [tilespmem:s22+$0x40E0];
	v30 =	vsel vm0, $0x0, v30  }
0x208: {  	p2 =	seq.s32 s0, $0x0;
	s26 =	simm.s32 @!p1 $0x0;
	v30 =	vadd.f32 v30, v31  }
0x209: {  	s26 =	simm.s32 @p2 $0x3F800000  }
0x20a: {  	v44 =	vmul.f32 s26, v16;
	v31 =	vadd.f32 v30, v43  }
0x20b: {  	v30 =	vld [tilespmem:$0x9C80]  }
0x20c: {  	v32 =	vadd.f32 v44, v2;
	v31 =	vadd.f32 v31, v33;
	_ =	sdelay $0x1  }
0x20d: {  	v31 =	vmul.f32 v31, v32  }
0x20e: {  	s23 =	simm.s32 $0x0  }
0x20f: {  	s30 =	sand.u32 $0x1800, s23;
	s24 =	sand.u32 $0x380, s23;
	v31 =	vadd.f32 v31, v30  }
0x210: {  	s24 =	sor.u32 s24, s30  }
0x211: {  	[tilespmem:s24+$0x7A80] =	vst v31  }
0x212: {  	v31 =	vld [tilespmem:s22+$0x5E20]  }
0x213: {  	v45 =	vld [tilespmem:s22+$0x5E1F];
	_ =	sdelay $0x1  }
0x214: {  	v46 =	vld [tilespmem:s22+$0x5E21];
	_ =	sdelay $0x1  }
0x215: {  	v34 =	vld [tilespmem:s22+$0x40F0]  }
0x216: {  	v31 =	vadd.f32 v45, v31;
	_ =	sdelay $0x1  }
0x217: {  	v47 =	vmul.f32 s26, v17;
	v31 =	vadd.f32 v46, v31;
	_ =	sdelay $0x1  }
0x218: {  	v32 =	vadd.f32 v47, v3;
	v31 =	vadd.f32 v34, v31;
	_ =	sdelay $0x1  }
0x219: {  	v31 =	vmul.f32 v31, v32;
	_ =	sdelay $0x1  }
0x21a: {  	v31 =	vadd.f32 v31, v30;
	_ =	sdelay $0x1  }
0x21b: {  	[tilespmem:s24+$0x7A90] =	vst v31  }
0x21c: {  	v31 =	vld [tilespmem:s22+$0x5E30]  }
0x21d: {  	v48 =	vld [tilespmem:s22+$0x5E2F];
	_ =	sdelay $0x1  }
0x21e: {  	v49 =	vld [tilespmem:s22+$0x5E31]  }
0x21f: {  	s31 =	sand.u32 $0x1FE0, s23  }
0x220: {  	v50 =	vld [tilespmem:s31+$0x4100]  }
0x221: {  	v31 =	vadd.f32 v48, v31;
	_ =	sdelay $0x1  }
0x222: {  	v51 =	vmul.f32 s26, v18;
	v31 =	vadd.f32 v49, v31;
	_ =	sdelay $0x1  }
0x223: {  	v32 =	vadd.f32 v51, v4;
	v31 =	vadd.f32 v50, v31;
	_ =	sdelay $0x1  }
0x224: {  	v31 =	vmul.f32 v31, v32;
	_ =	sdelay $0x1  }
0x225: {  	v31 =	vadd.f32 v31, v30;
	_ =	sdelay $0x1  }
0x226: {  	[tilespmem:s24+$0x7AA0] =	vst v31  }
0x227: {  	v31 =	vld [tilespmem:s22+$0x5E40]  }
0x228: {  	v52 =	vld [tilespmem:s22+$0x5E3F];
	_ =	sdelay $0x1  }
0x229: {  	v53 =	vld [tilespmem:s22+$0x5E41];
	_ =	sdelay $0x1  }
0x22a: {  	v54 =	vld [tilespmem:s22+$0x4110]  }
0x22b: {  	v31 =	vadd.f32 v52, v31;
	_ =	sdelay $0x1  }
0x22c: {  	v55 =	vmul.f32 s26, v19;
	v31 =	vadd.f32 v53, v31;
	_ =	sdelay $0x1  }
0x22d: {  	v32 =	vadd.f32 v55, v5;
	v31 =	vadd.f32 v54, v31;
	_ =	sdelay $0x1  }
0x22e: {  	v31 =	vmul.f32 v31, v32;
	_ =	sdelay $0x1  }
0x22f: {  	v31 =	vadd.f32 v31, v30;
	_ =	sdelay $0x1  }
0x230: {  	[tilespmem:s24+$0x7AB0] =	vst v31  }
0x231: {  	v31 =	vld [tilespmem:s22+$0x5E50]  }
0x232: {  	v56 =	vld [tilespmem:s22+$0x5E4F];
	_ =	sdelay $0x1  }
0x233: {  	v57 =	vld [tilespmem:s22+$0x5E51];
	_ =	sdelay $0x1  }
0x234: {  	v58 =	vld [tilespmem:s22+$0x4120]  }
0x235: {  	v31 =	vadd.f32 v56, v31;
	_ =	sdelay $0x1  }
0x236: {  	v59 =	vmul.f32 s26, v20;
	v31 =	vadd.f32 v57, v31;
	_ =	sdelay $0x1  }
0x237: {  	v32 =	vadd.f32 v59, v6;
	v31 =	vadd.f32 v58, v31;
	_ =	sdelay $0x1  }
0x238: {  	v31 =	vmul.f32 v31, v32;
	_ =	sdelay $0x1  }
0x239: {  	v31 =	vadd.f32 v31, v30;
	_ =	sdelay $0x1  }
0x23a: {  	[tilespmem:s24+$0x7AC0] =	vst v31  }
0x23b: {  	v31 =	vld [tilespmem:s22+$0x5E60]  }
0x23c: {  	v60 =	vld [tilespmem:s22+$0x5E5F];
	_ =	sdelay $0x1  }
0x23d: {  	v61 =	vld [tilespmem:s22+$0x5E61];
	_ =	sdelay $0x1  }
0x23e: {  	v62 =	vld [tilespmem:s22+$0x4130]  }
0x23f: {  	v31 =	vadd.f32 v60, v31;
	_ =	sdelay $0x1  }
0x240: {  	v63 =	vmul.f32 s26, v21;
	v31 =	vadd.f32 v61, v31;
	_ =	sdelay $0x1  }
0x241: {  	v32 =	vadd.f32 v63, v8;
	v31 =	vadd.f32 v62, v31;
	_ =	sdelay $0x1  }
0x242: {  	v31 =	vmul.f32 v31, v32;
	_ =	sdelay $0x1  }
0x243: {  	v31 =	vadd.f32 v31, v30;
	_ =	sdelay $0x1  }
0x244: {  	[tilespmem:s24+$0x7AD0] =	vst v31  }
0x245: {  	v31 =	vld [tilespmem:s22+$0x5E70]  }
0x246: {  	v36 =	vld [tilespmem:s22+$0x5E6F];
	_ =	sdelay $0x1  }
0x247: {  	v37 =	vld [tilespmem:s22+$0x5E71];
	_ =	sdelay $0x1  }
0x248: {  	v38 =	vld [tilespmem:s22+$0x4140]  }
0x249: {  	v31 =	vadd.f32 v36, v31;
	_ =	sdelay $0x1  }
0x24a: {  	v39 =	vmul.f32 s26, v22;
	v31 =	vadd.f32 v37, v31;
	_ =	sdelay $0x1  }
0x24b: {  	v32 =	vadd.f32 v39, v9;
	v31 =	vadd.f32 v38, v31;
	_ =	sdelay $0x1  }
0x24c: {  	v31 =	vmul.f32 v31, v32;
	_ =	sdelay $0x1  }
0x24d: {  	v31 =	vadd.f32 v31, v30;
	_ =	sdelay $0x1  }
0x24e: {  	[tilespmem:s24+$0x7AE0] =	vst v31  }
0x24f: {  	v31 =	vld [tilespmem:s31+$0x5E80]  }
0x250: {  	v40 =	vld [tilespmem:s22+$0x5E7F];
	_ =	sdelay $0x1  }
0x251: {  	v41 =	vld [tilespmem:s22+$0x5E81];
	_ =	sdelay $0x1  }
0x252: {  	v42 =	vld [tilespmem:s22+$0x4150]  }
0x253: {  	v31 =	vadd.f32 v40, v31;
	_ =	sdelay $0x1  }
0x254: {  	v43 =	vmul.f32 s26, v23;
	v31 =	vadd.f32 v41, v31;
	_ =	sdelay $0x1  }
0x255: {  	v32 =	vadd.f32 v43, v10;
	v31 =	vadd.f32 v42, v31;
	_ =	sdelay $0x1  }
0x256: {  	v31 =	vmul.f32 v31, v32;
	_ =	sdelay $0x1  }
0x257: {  	v31 =	vadd.f32 v31, v30;
	_ =	sdelay $0x1  }
0x258: {  	[tilespmem:s24+$0x7AF0] =	vst v31  }
0x259: {  	v31 =	vld [tilespmem:s22+$0x5E90]  }
0x25a: {  	v44 =	vld [tilespmem:s22+$0x5E8F];
	_ =	sdelay $0x1  }
0x25b: {  	v45 =	vld [tilespmem:s22+$0x5E91];
	_ =	sdelay $0x1  }
0x25c: {  	v46 =	vld [tilespmem:s22+$0x4160]  }
0x25d: {  	v31 =	vadd.f32 v44, v31;
	_ =	sdelay $0x1  }
0x25e: {  	v47 =	vmul.f32 s26, v24;
	v31 =	vadd.f32 v45, v31;
	_ =	sdelay $0x1  }
0x25f: {  	v32 =	vadd.f32 v47, v11;
	v31 =	vadd.f32 v46, v31;
	_ =	sdelay $0x1  }
0x260: {  	v31 =	vmul.f32 v31, v32;
	_ =	sdelay $0x1  }
0x261: {  	v31 =	vadd.f32 v31, v30;
	_ =	sdelay $0x1  }
0x262: {  	[tilespmem:s24+$0x7E80] =	vst v31  }
0x263: {  	v31 =	vld [tilespmem:s22+$0x5EA0]  }
0x264: {  	v48 =	vld [tilespmem:s22+$0x5E9F];
	_ =	sdelay $0x1  }
0x265: {  	v49 =	vld [tilespmem:s22+$0x5EA1];
	_ =	sdelay $0x1  }
0x266: {  	v50 =	vld [tilespmem:s22+$0x4170]  }
0x267: {  	v31 =	vadd.f32 v48, v31;
	_ =	sdelay $0x1  }
0x268: {  	v51 =	vmul.f32 s26, v25;
	v31 =	vadd.f32 v49, v31;
	_ =	sdelay $0x1  }
0x269: {  	v32 =	vadd.f32 v51, v12;
	v31 =	vadd.f32 v50, v31;
	_ =	sdelay $0x1  }
0x26a: {  	v31 =	vmul.f32 v31, v32;
	_ =	sdelay $0x1  }
0x26b: {  	v31 =	vadd.f32 v31, v30;
	_ =	sdelay $0x1  }
0x26c: {  	[tilespmem:s24+$0x7E90] =	vst v31  }
0x26d: {  	v31 =	vld [tilespmem:s22+$0x5EB0]  }
0x26e: {  	v52 =	vld [tilespmem:s22+$0x5EAF];
	_ =	sdelay $0x1  }
0x26f: {  	v53 =	vld [tilespmem:s22+$0x5EB1];
	_ =	sdelay $0x1  }
0x270: {  	v54 =	vld [tilespmem:s31+$0x4180]  }
0x271: {  	v31 =	vadd.f32 v52, v31;
	_ =	sdelay $0x1  }
0x272: {  	v55 =	vmul.f32 s26, v26;
	v31 =	vadd.f32 v53, v31;
	_ =	sdelay $0x1  }
0x273: {  	v32 =	vadd.f32 v55, v13;
	v31 =	vadd.f32 v54, v31;
	_ =	sdelay $0x1  }
0x274: {  	v31 =	vmul.f32 v31, v32;
	_ =	sdelay $0x1  }
0x275: {  	v31 =	vadd.f32 v31, v30;
	_ =	sdelay $0x1  }
0x276: {  	[tilespmem:s24+$0x7EA0] =	vst v31  }
0x277: {  	v31 =	vld [tilespmem:s22+$0x5EC0]  }
0x278: {  	v56 =	vld [tilespmem:s22+$0x5EBF];
	_ =	sdelay $0x1  }
0x279: {  	v57 =	vld [tilespmem:s22+$0x5EC1];
	_ =	sdelay $0x1  }
0x27a: {  	v58 =	vld [tilespmem:s22+$0x4190]  }
0x27b: {  	v31 =	vadd.f32 v56, v31;
	_ =	sdelay $0x1  }
0x27c: {  	v59 =	vmul.f32 s26, v27;
	v31 =	vadd.f32 v57, v31;
	_ =	sdelay $0x1  }
0x27d: {  	v32 =	vadd.f32 v59, v14;
	v31 =	vadd.f32 v58, v31;
	_ =	sdelay $0x1  }
0x27e: {  	v31 =	vmul.f32 v31, v32;
	_ =	sdelay $0x1  }
0x27f: {  	v31 =	vadd.f32 v31, v30;
	_ =	sdelay $0x1  }
0x280: {  	[tilespmem:s24+$0x7EB0] =	vst v31  }
0x281: {  	v31 =	vld [tilespmem:s22+$0x5ED0]  }
0x282: {  	v60 =	vld [tilespmem:s22+$0x5ECF];
	_ =	sdelay $0x1  }
0x283: {  	v61 =	vld [tilespmem:s22+$0x5ED1];
	_ =	sdelay $0x1  }
0x284: {  	v62 =	vld [tilespmem:s22+$0x41A0]  }
0x285: {  	v31 =	vadd.f32 v60, v31;
	_ =	sdelay $0x1  }
0x286: {  	v63 =	vmul.f32 s26, v28;
	v31 =	vadd.f32 v61, v31;
	_ =	sdelay $0x1  }
0x287: {  	v32 =	vadd.f32 v63, v15;
	v31 =	vadd.f32 v62, v31;
	_ =	sdelay $0x1  }
0x288: {  	v31 =	vmul.f32 v31, v32;
	_ =	sdelay $0x1  }
0x289: {  	v32 =	vadd.f32 v31, v30;
	_ =	sdelay $0x1  }
0x28a: {  	s28 =	simm.s32 $0x0;
	s25 =	simm.s32 $0x380;
	v31 =	vmul.f32 s26, v29;
	s26 =	simm.s32 $0x0;
	[tilespmem:s24+$0x7EC0] =	vst v32  }
.LBB2_14:
0x28b: {  	v32 =	vld [tilespmem:s22+$0x5EDF];
	s23 =	sadd.s32 $0x80, s23;
	s26 =	sadd.s32 $0x100, s26;
	s28 =	sadd.s32 $0xE0, s28  }
0x28c: {  	p1 =	sne.s32 s25, $0x6C80;
	s0 =	smov.u32 s25;
	s25 =	sadd.s32 $0x380, s25;
	v33 =	vld [tilespmem:s22+$0x5EE0]  }
0x28d: {  	v34 =	vld [tilespmem:s22+$0x5EE1]  }
0x28e: {  	v35 =	vld [tilespmem:s22+$0x41B0];
	_ =	sdelay $0x2  }
0x28f: {  	vm1 =	veq.s32 v1, $0xF;
	v32 =	vadd.f32 v32, v33  }
0x290: {  	v33 =	vsel vm1, $0x0, v34  }
0x291: {  	v31 =	vadd.f32 v31, v7;
	v32 =	vadd.f32 v33, v32;
	_ =	sdelay $0x1  }
0x292: {  	v32 =	vadd.f32 v32, v35;
	_ =	sdelay $0x1  }
0x293: {  	v31 =	vmul.f32 v32, v31  }
0x294: {  	s22 =	sshra.s32 s0, $0x2  }
0x295: {  	v31 =	vadd.f32 v31, v30;
	_ =	sdelay $0x1  }
0x296: {  	[tilespmem:s24+$0x7ED0] =	vst v31  }
0x297: {  	v31 =	vld [tilespmem:s22+$0x5E0F]  }
0x298: {  	v32 =	vld [tilespmem:s22+$0x5E10]  }
0x299: {  	v33 =	vld [tilespmem:s22+$0x40E0]  }
0x29a: {  	v34 =	vld [tilespmem:s22+$0x5E11]  }
0x29b: {  	s0 =	sadd.s32 s0, s12  }
0x29c: {  	p2 =	seq.s32 s0, $0x30C80;
	p3 =	seq.s32 s0, $0x0;
	s0 =	simm.f32 $1.000000000e+00;
	v31 =	vsel vm0, $0x0, v31  }
0x29d: {  	s0 =	simm.s32 @!p2 $0x0;
	v31 =	vadd.f32 v31, v32  }
0x29e: {  	s0 =	simm.s32 @p3 $0x3F800000  }
0x29f: {  	v40 =	vmul.f32 s0, v17;
	v32 =	vmul.f32 s0, v16;
	v31 =	vadd.f32 v31, v34  }
0x2a0: {  	v41 =	vmul.f32 s0, v18;
	v42 =	vmul.f32 s0, v19  }
0x2a1: {  	v43 =	vmul.f32 s0, v20;
	v32 =	vadd.f32 v32, v2;
	v31 =	vadd.f32 v31, v33  }
0x2a2: {  	v39 =	vmul.f32 s0, v21;
	v38 =	vmul.f32 s0, v22  }
0x2a3: {  	v37 =	vmul.f32 s0, v23;
	v31 =	vmul.f32 v31, v32  }
0x2a4: {  	v36 =	vmul.f32 s0, v24;
	v35 =	vmul.f32 s0, v25  }
0x2a5: {  	s29 =	sand.u32 $0x380, s23;
	s24 =	sand.u32 $0x1800, s26;
	v34 =	vmul.f32 s0, v26;
	v33 =	vmul.f32 s0, v27;
	v44 =	vadd.f32 v31, v30  }
0x2a6: {  	s24 =	sor.u32 s29, s24;
	v32 =	vmul.f32 s0, v28;
	v31 =	vmul.f32 s0, v29  }
0x2a7: {  	[tilespmem:s24+$0x7A80] =	vst v44  }
0x2a8: {  	v44 =	vld [tilespmem:s22+$0x5E20]  }
0x2a9: {  	v45 =	vld [tilespmem:s22+$0x5E1F]  }
0x2aa: {  	v46 =	vld [tilespmem:s22+$0x40F0]  }
0x2ab: {  	v47 =	vld [tilespmem:s22+$0x5E21];
	_ =	sdelay $0x2  }
0x2ac: {  	v44 =	vadd.f32 v45, v44;
	_ =	sdelay $0x1  }
0x2ad: {  	v44 =	vadd.f32 v47, v44;
	_ =	sdelay $0x1  }
0x2ae: {  	v40 =	vadd.f32 v40, v3;
	v44 =	vadd.f32 v46, v44;
	_ =	sdelay $0x1  }
0x2af: {  	v40 =	vmul.f32 v44, v40;
	_ =	sdelay $0x1  }
0x2b0: {  	v40 =	vadd.f32 v40, v30;
	_ =	sdelay $0x1  }
0x2b1: {  	[tilespmem:s24+$0x7A90] =	vst v40  }
0x2b2: {  	v40 =	vld [tilespmem:s22+$0x5E30]  }
0x2b3: {  	v44 =	vld [tilespmem:s22+$0x5E2F];
	_ =	sdelay $0x1  }
0x2b4: {  	v45 =	vld [tilespmem:s22+$0x5E31]  }
0x2b5: {  	s29 =	sand.u32 $0x1FE0, s28  }
0x2b6: {  	v46 =	vld [tilespmem:s29+$0x4100]  }
0x2b7: {  	v40 =	vadd.f32 v44, v40;
	_ =	sdelay $0x1  }
0x2b8: {  	v40 =	vadd.f32 v45, v40;
	_ =	sdelay $0x1  }
0x2b9: {  	v41 =	vadd.f32 v41, v4;
	v40 =	vadd.f32 v46, v40;
	_ =	sdelay $0x1  }
0x2ba: {  	v40 =	vmul.f32 v40, v41;
	_ =	sdelay $0x1  }
0x2bb: {  	v40 =	vadd.f32 v40, v30;
	_ =	sdelay $0x1  }
0x2bc: {  	[tilespmem:s24+$0x7AA0] =	vst v40  }
0x2bd: {  	v40 =	vld [tilespmem:s22+$0x5E40]  }
0x2be: {  	v41 =	vld [tilespmem:s22+$0x5E3F];
	_ =	sdelay $0x1  }
0x2bf: {  	v44 =	vld [tilespmem:s22+$0x5E41];
	_ =	sdelay $0x1  }
0x2c0: {  	v45 =	vld [tilespmem:s22+$0x4110]  }
0x2c1: {  	v40 =	vadd.f32 v41, v40;
	_ =	sdelay $0x1  }
0x2c2: {  	v40 =	vadd.f32 v44, v40;
	_ =	sdelay $0x1  }
0x2c3: {  	v41 =	vadd.f32 v42, v5;
	v40 =	vadd.f32 v45, v40;
	_ =	sdelay $0x1  }
0x2c4: {  	v40 =	vmul.f32 v40, v41;
	_ =	sdelay $0x1  }
0x2c5: {  	v40 =	vadd.f32 v40, v30;
	_ =	sdelay $0x1  }
0x2c6: {  	[tilespmem:s24+$0x7AB0] =	vst v40  }
0x2c7: {  	v40 =	vld [tilespmem:s22+$0x5E50]  }
0x2c8: {  	v41 =	vld [tilespmem:s22+$0x5E4F];
	_ =	sdelay $0x1  }
0x2c9: {  	v42 =	vld [tilespmem:s22+$0x5E51];
	_ =	sdelay $0x1  }
0x2ca: {  	v44 =	vld [tilespmem:s22+$0x4120]  }
0x2cb: {  	v40 =	vadd.f32 v41, v40;
	_ =	sdelay $0x1  }
0x2cc: {  	v40 =	vadd.f32 v42, v40;
	_ =	sdelay $0x1  }
0x2cd: {  	v41 =	vadd.f32 v43, v6;
	v40 =	vadd.f32 v44, v40;
	_ =	sdelay $0x1  }
0x2ce: {  	v40 =	vmul.f32 v40, v41;
	_ =	sdelay $0x1  }
0x2cf: {  	v40 =	vadd.f32 v40, v30;
	_ =	sdelay $0x1  }
0x2d0: {  	[tilespmem:s24+$0x7AC0] =	vst v40  }
0x2d1: {  	v40 =	vld [tilespmem:s22+$0x5E60]  }
0x2d2: {  	v41 =	vld [tilespmem:s22+$0x5E5F];
	_ =	sdelay $0x1  }
0x2d3: {  	v42 =	vld [tilespmem:s22+$0x5E61];
	_ =	sdelay $0x1  }
0x2d4: {  	v43 =	vld [tilespmem:s22+$0x4130]  }
0x2d5: {  	v40 =	vadd.f32 v41, v40;
	_ =	sdelay $0x1  }
0x2d6: {  	v40 =	vadd.f32 v42, v40;
	_ =	sdelay $0x1  }
0x2d7: {  	v39 =	vadd.f32 v39, v8;
	v40 =	vadd.f32 v43, v40;
	_ =	sdelay $0x1  }
0x2d8: {  	v39 =	vmul.f32 v40, v39;
	_ =	sdelay $0x1  }
0x2d9: {  	v39 =	vadd.f32 v39, v30;
	_ =	sdelay $0x1  }
0x2da: {  	[tilespmem:s24+$0x7AD0] =	vst v39  }
0x2db: {  	v39 =	vld [tilespmem:s22+$0x5E70]  }
0x2dc: {  	v40 =	vld [tilespmem:s22+$0x5E6F]  }
0x2dd: {  	v41 =	vld [tilespmem:s22+$0x4140]  }
0x2de: {  	v42 =	vld [tilespmem:s22+$0x5E71];
	_ =	sdelay $0x2  }
0x2df: {  	v39 =	vadd.f32 v40, v39;
	_ =	sdelay $0x1  }
0x2e0: {  	v39 =	vadd.f32 v42, v39;
	_ =	sdelay $0x1  }
0x2e1: {  	v38 =	vadd.f32 v38, v9;
	v39 =	vadd.f32 v41, v39;
	_ =	sdelay $0x1  }
0x2e2: {  	v38 =	vmul.f32 v39, v38;
	_ =	sdelay $0x1  }
0x2e3: {  	v38 =	vadd.f32 v38, v30;
	_ =	sdelay $0x1  }
0x2e4: {  	[tilespmem:s24+$0x7AE0] =	vst v38  }
0x2e5: {  	v38 =	vld [tilespmem:s29+$0x5E80]  }
0x2e6: {  	v39 =	vld [tilespmem:s22+$0x5E7F]  }
0x2e7: {  	v40 =	vld [tilespmem:s22+$0x5E81];
	_ =	sdelay $0x2  }
0x2e8: {  	v41 =	vld [tilespmem:s22+$0x4150]  }
0x2e9: {  	v38 =	vadd.f32 v39, v38;
	_ =	sdelay $0x1  }
0x2ea: {  	v38 =	vadd.f32 v40, v38;
	_ =	sdelay $0x1  }
0x2eb: {  	v37 =	vadd.f32 v37, v10;
	v38 =	vadd.f32 v41, v38;
	_ =	sdelay $0x1  }
0x2ec: {  	v37 =	vmul.f32 v38, v37;
	_ =	sdelay $0x1  }
0x2ed: {  	v37 =	vadd.f32 v37, v30;
	_ =	sdelay $0x1  }
0x2ee: {  	[tilespmem:s24+$0x7AF0] =	vst v37  }
0x2ef: {  	v37 =	vld [tilespmem:s22+$0x5E90]  }
0x2f0: {  	v38 =	vld [tilespmem:s22+$0x5E8F]  }
0x2f1: {  	v39 =	vld [tilespmem:s22+$0x5E91]  }
0x2f2: {  	v40 =	vld [tilespmem:s22+$0x4160];
	_ =	sdelay $0x2  }
0x2f3: {  	v37 =	vadd.f32 v38, v37;
	_ =	sdelay $0x1  }
0x2f4: {  	v37 =	vadd.f32 v39, v37;
	_ =	sdelay $0x1  }
0x2f5: {  	v36 =	vadd.f32 v36, v11;
	v37 =	vadd.f32 v40, v37;
	_ =	sdelay $0x1  }
0x2f6: {  	v36 =	vmul.f32 v37, v36;
	_ =	sdelay $0x1  }
0x2f7: {  	v36 =	vadd.f32 v36, v30;
	_ =	sdelay $0x1  }
0x2f8: {  	[tilespmem:s24+$0x7E80] =	vst v36  }
0x2f9: {  	v36 =	vld [tilespmem:s22+$0x5EA0]  }
0x2fa: {  	v37 =	vld [tilespmem:s22+$0x5E9F]  }
0x2fb: {  	v38 =	vld [tilespmem:s22+$0x5EA1]  }
0x2fc: {  	v39 =	vld [tilespmem:s22+$0x4170];
	_ =	sdelay $0x2  }
0x2fd: {  	v36 =	vadd.f32 v37, v36;
	_ =	sdelay $0x1  }
0x2fe: {  	v36 =	vadd.f32 v38, v36;
	_ =	sdelay $0x1  }
0x2ff: {  	v35 =	vadd.f32 v35, v12;
	v36 =	vadd.f32 v39, v36;
	_ =	sdelay $0x1  }
0x300: {  	v35 =	vmul.f32 v36, v35;
	_ =	sdelay $0x1  }
0x301: {  	v35 =	vadd.f32 v35, v30;
	_ =	sdelay $0x1  }
0x302: {  	[tilespmem:s24+$0x7E90] =	vst v35  }
0x303: {  	v35 =	vld [tilespmem:s22+$0x5EB0]  }
0x304: {  	v36 =	vld [tilespmem:s22+$0x5EAF]  }
0x305: {  	v37 =	vld [tilespmem:s22+$0x5EB1]  }
0x306: {  	v38 =	vld [tilespmem:s29+$0x4180];
	_ =	sdelay $0x2  }
0x307: {  	v35 =	vadd.f32 v36, v35;
	_ =	sdelay $0x1  }
0x308: {  	v35 =	vadd.f32 v37, v35;
	_ =	sdelay $0x1  }
0x309: {  	v34 =	vadd.f32 v34, v13;
	v35 =	vadd.f32 v38, v35;
	_ =	sdelay $0x1  }
0x30a: {  	v34 =	vmul.f32 v35, v34;
	_ =	sdelay $0x1  }
0x30b: {  	v34 =	vadd.f32 v34, v30;
	_ =	sdelay $0x1  }
0x30c: {  	[tilespmem:s24+$0x7EA0] =	vst v34  }
0x30d: {  	v34 =	vld [tilespmem:s22+$0x5EC0]  }
0x30e: {  	v35 =	vld [tilespmem:s22+$0x5EBF]  }
0x30f: {  	v36 =	vld [tilespmem:s22+$0x5EC1]  }
0x310: {  	v37 =	vld [tilespmem:s22+$0x4190];
	_ =	sdelay $0x2  }
0x311: {  	v34 =	vadd.f32 v35, v34;
	_ =	sdelay $0x1  }
0x312: {  	v34 =	vadd.f32 v36, v34;
	_ =	sdelay $0x1  }
0x313: {  	v33 =	vadd.f32 v33, v14;
	v34 =	vadd.f32 v37, v34;
	_ =	sdelay $0x1  }
0x314: {  	v33 =	vmul.f32 v34, v33;
	_ =	sdelay $0x1  }
0x315: {  	v33 =	vadd.f32 v33, v30;
	_ =	sdelay $0x1  }
0x316: {  	[tilespmem:s24+$0x7EB0] =	vst v33  }
0x317: {  	v33 =	vld [tilespmem:s22+$0x5ED0]  }
0x318: {  	v34 =	vld [tilespmem:s22+$0x5ECF]  }
0x319: {  	v35 =	vld [tilespmem:s22+$0x5ED1]  }
0x31a: {  	v36 =	vld [tilespmem:s22+$0x41A0];
	_ =	sdelay $0x2  }
0x31b: {  	v33 =	vadd.f32 v34, v33;
	_ =	sdelay $0x1  }
0x31c: {  	v33 =	vadd.f32 v35, v33;
	_ =	sdelay $0x1  }
0x31d: {  	v32 =	vadd.f32 v32, v15;
	v33 =	vadd.f32 v36, v33;
	_ =	sdelay $0x1  }
.Ltmp7:
0x31e: {  	v32 =	vmul.f32 v33, v32;
	(pc) =	sbr.rel @p1 .LBB2_14-.Ltmp7, $3  }
0x31f: {  	_ = 	snop  }
0x320: {  	v32 =	vadd.f32 v32, v30;
	_ =	sdelay $0x1  }
0x321: {  	[tilespmem:s24+$0x7EC0] =	vst v32  }
0x322: {  	v2 =	vld [tilespmem:s22+$0x5EDF]  }
0x323: {  	v3 =	vld [tilespmem:s22+$0x5EE0]  }
0x324: {  	v4 =	vld [tilespmem:s22+$0x5EE1];
	_ =	sdelay $0x2  }
0x325: {  	v5 =	vld [tilespmem:s22+$0x41B0]  }
0x326: {  	v2 =	vadd.f32 v2, v3  }
0x327: {  	v3 =	vsel vm1, $0x0, v4  }
0x328: {  	v2 =	vadd.f32 v3, v2;
	_ =	sdelay $0x1  }
0x329: {  	v3 =	vadd.f32 v31, v7;
	v2 =	vadd.f32 v2, v5;
	_ =	sdelay $0x1  }
0x32a: {  	v2 =	vmul.f32 v2, v3;
	_ =	sdelay $0x1  }
0x32b: {  	s21 =	sadd.s32 $0x1, s21;
	v2 =	vadd.f32 v2, v30  }
0x32c: {  	p1 =	sne.s32 s21, s10  }
.Ltmp8:
0x32d: {  	[tilespmem:s24+$0x7ED0] =	vst v2;
	(pc) =	sbr.rel @p1 .LBB2_2-.Ltmp8, $4  }
0x32e: {  	[hbm4b:s6+s2] =	stream.linear.scatter [tilespmem:s19], [sflag:$0x2], $0x2000, $0x38;
	[tilespmem:$0x9D00] =	vst v63  }
0x32f: {  	_ =	swait.ge [sflag:s20], $0x2000  }
0x330: {  	[sflag:s20] =	ssyncset.done $0x0  }
0x331: {  	[sflag:s20] =	ssyncadd.s32 $0xFFFFE000  }
.LBB2_16:
0x332: {  	_ =	sfence.sel $0x180000  }
0x333: {  	[bflag:$0x0] =	sbarrier.arrive $0xFFFF  }
0x334: {  	_ =	strace $0x90000047  }
0x335: {  	[bflag:$0x2] =	sbarrier.arrive $0xFFFF  }
0x336: {  	p0 =	sne.s32 s1, $0x0;
	s0 =	rddreg [dreg:$0x2]  }
0x337: {  	s0 =	sadd.s32 @!p0 $0x100000, s0  }
0x338: {  	[sflag:s0] =	ssyncadd.tile.s32 @!p0 $0x1;
	_ =	shalt  }
.Lfunc_end2:
_tile_overlayer_lowered:
.L_overlay_start_2:
0x339: {  	(tag) =	ssettag $0x2  }
0x33a: {  	s0 =	rddreg [dreg:$0x0];
	s2 =	stileid.u32  }
0x33b: {  	s1 =	rddreg [dreg:$0x1];
	p0 =	sne.s32 s2, $0x0  }
0x33c: {  	s3 =	rddreg [dreg:$0x2];
	[bflag:$0x3] =	sbarrier.arrive $0xFFFF;
	s2 =	simm.s32 @!p0 $0x1C02  }
0x33d: {  	[timem:s3], [sflag:s2] =	dma.local @!p0 [hbm:s0], s1  }
0x33e: {  	s0 =	simm.s32 @!p0 $0x2  }
0x33f: {  	_ =	swait.ge @!p0 [sflag:s0], s1  }
0x340: {  	s1 =	ssub.s32 @!p0 $0x0, s1;
	[sflag:s0] =	ssyncset.done @!p0 $0x0  }
0x341: {  	[sflag:s0] =	ssyncadd.s32 @!p0 s1  }
0x342: {  	[bflag:$0x3] =	sbarrier.arrive $0xFFFF  }
0x343: {  	_ =	shalt  }

</sc_bundles>
